<compile_context>
chip_gen: v7x
topology: tpu7x:2x2x1
jax: 0.10.2.dev20260603
libtpu: 0.0.44.dev20260713+nightly
codegen_flags: <defaults>
</compile_context>

<pallas_src>
import functools

import jax
import jax.numpy as jnp
from jax import lax
from jax.experimental import pallas as pl
from jax.experimental.pallas import tpu as pltpu
from jax.experimental.pallas import tpu_sc as plsc


def _make_sc_pooler(B, L, V, N):
  info = plsc.get_sparse_core_info()
  NC, NS = info.num_cores, info.num_subcores
  NW = NC * NS
  b_per_w = B // NW
  bat_per_chunk = max(1, 128 // L)
  chunks = b_per_w // bat_per_chunk
  ch_sz = bat_per_chunk * L
  ng = N // 16

  mesh = plsc.VectorSubcoreMesh(core_axis_name="c", subcore_axis_name="s")

  @functools.partial(
      pl.kernel,
      mesh=mesh,
      compiler_params=pltpu.CompilerParams(use_tc_tiling_on_sc=False),
      out_type=jax.ShapeDtypeStruct((B, N), jnp.float32),
      scratch_types=[
          pltpu.VMEM((chunks, ch_sz), jnp.int32),
          pltpu.VMEM((chunks, ch_sz, N), jnp.float32),
          pltpu.VMEM((b_per_w, N), jnp.float32),
          pltpu.SemaphoreType.DMA,
      ],
  )
  def pooler(idx_hbm, emb_hbm, out_hbm, idx_v, rows_v, acc_v, sem):
    wid = lax.axis_index("s") * NC + lax.axis_index("c")
    pltpu.sync_copy(idx_hbm.at[pl.ds(wid * chunks, chunks)], idx_v)
    copies = [
        pltpu.async_copy(emb_hbm.at[idx_v.at[k]], rows_v.at[k], sem)
        for k in range(chunks)
    ]
    for c in copies:
      c.wait()

    def body_k(k, carry):
      for h in range(bat_per_chunk):
        def body_l(l, acc):
          return tuple(
              acc[j] + rows_v[k, h * L + l, pl.ds(j * 16, 16)]
              for j in range(ng)
          )
        acc0 = tuple(rows_v[k, h * L, pl.ds(j * 16, 16)] for j in range(ng))
        acc = lax.fori_loop(1, L, body_l, acc0)
        for j in range(ng):
          acc_v[k * bat_per_chunk + h, pl.ds(j * 16, 16)] = acc[j]
      return carry

    lax.fori_loop(0, chunks, body_k, 0)
    pltpu.sync_copy(acc_v, out_hbm.at[pl.ds(wid * b_per_w, b_per_w)])

  return pooler, ch_sz


def _tc_head(embeds, Wt_pad, b_pad, block_b):
  B, N = embeds.shape
  VP = Wt_pad.shape[1]

  def body(e_ref, w_ref, b_ref, o_ref):
    logits = lax.dot_general(
        e_ref[...], w_ref[...], (((1,), (0,)), ((), ())),
        preferred_element_type=jnp.float32)
    logits = logits + b_ref[...]
    s = jnp.sum(jnp.exp(logits), axis=1, keepdims=True)
    o_ref[...] = logits - jnp.log(s)

  return pl.pallas_call(
      body,
      grid=(B // block_b,),
      in_specs=[
          pl.BlockSpec((block_b, N), lambda i: (i, 0)),
          pl.BlockSpec((N, VP), lambda i: (0, 0)),
          pl.BlockSpec((1, VP), lambda i: (0, 0)),
      ],
      out_specs=pl.BlockSpec((block_b, VP), lambda i: (i, 0)),
      out_shape=jax.ShapeDtypeStruct((B, VP), jnp.float32),
  )(embeds, Wt_pad, b_pad)


def kernel(context_idxs, emb, W, b):
  B, L = context_idxs.shape
  V, N = emb.shape
  VP = ((V + 127) // 128) * 128
  pooler, ch_sz = _make_sc_pooler(B, L, V, N)
  idx = context_idxs.astype(jnp.int32).reshape(-1).reshape(-1, ch_sz)
  embeds = pooler(idx, emb)
  Wt_pad = jnp.pad(W.T.astype(jnp.bfloat16), ((0, 0), (0, VP - V)))
  b_pad = jnp.pad(jnp.reshape(b, (1, V)), ((0, 0), (0, VP - V)),
                  constant_values=-1e30)
  out_pad = _tc_head(embeds.astype(jnp.bfloat16), Wt_pad, b_pad, block_b=16)
  return out_pad[:, :V]

# --- scband reference (transcript-rebuilt; emitter-appended) ---
"""Pipeline reference for scband-cbow-48275432407519 (READ-ONLY COPY).

The authoritative reference and input builder live on the scoring server;
editing this copy changes nothing except your own understanding.
"""

import jax, jax.numpy as jnp
import numpy as np

V = 100000
N = 64
B = 1024
L = 50

def setup_inputs(seed: int = 0) -> dict:
    key = jax.random.key(seed)
    k1, k2, k3, k4 = jax.random.split(key, 4)
    context_idxs = jax.random.randint(k1, (B, L), 0, V, dtype=jnp.int64)
    emb = jax.random.normal(k2, (V, N), dtype=jnp.float32) * 0.02
    W = jax.random.normal(k3, (V, N), dtype=jnp.float32) * 0.02  # torch Linear weight [out, in]
    b = jnp.zeros((V,), dtype=jnp.float32)
    return {"context_idxs": context_idxs, "emb": emb, "W": W, "b": b}

def reference(context_idxs, emb, W, b):
    idx_embed = jnp.take(emb, context_idxs, axis=0)      # [B, L, N] gather
    embeds = jnp.sum(idx_embed, axis=1)                  # [B, N]
    out = embeds @ W.T + b                               # [B, V]
    log_probs = jax.nn.log_softmax(out, axis=1)
    return log_probs

if __name__ == "__main__":
    import jax
    _d = setup_inputs()
    print(jax.jit(kernel)(*tuple(_d.values())))

</pallas_src>

<mosaic_0001>
#map = affine_map<(d0, d1) -> (0, 0)>
module attributes {stable_mosaic.version = 14 : i64} {
  func.func @pooler(%arg0: i32, %arg1: i32, %arg2: memref<512x100xi32, #tpu.memory_space<hbm>>, %arg3: memref<100000x64xf32, #tpu.memory_space<hbm>>, %arg4: memref<1024x64xf32, #tpu.memory_space<hbm>>, %arg5: memref<16x100xi32, #tpu.memory_space<vmem>>, %arg6: memref<16x100x64xf32, #tpu.memory_space<vmem>>, %arg7: memref<32x64xf32, #tpu.memory_space<vmem>>, %arg8: memref<!tpu.dma_semaphore, #tpu.memory_space<semaphore_mem>>) attributes {dimension_semantics = [#tpu.dimension_semantics<core_parallel>, #tpu.dimension_semantics<subcore_parallel>], iteration_bounds = array<i64: 2, 16>, scalar_prefetch = 0 : i64, scratch_operands = 4 : i64, tpu.core_type = #tpu.core_type<sc_vector_subcore>, window_params = [{transform_indices = #map}, {transform_indices = #map}, {transform_indices = #map}]} {
    %mul3A = arith.constant 2 : i32
    %mul3A_0 = arith.muli %arg1, %mul3A : i32
    %add3A = arith.addi %mul3A_0, %arg0 : i32
    %mul3A_1 = arith.constant 16 : i32
    %mul3A_2 = arith.muli %add3A, %mul3A_1 : i32
    "tpu.region"() ({
      %run_scoped3A = tpu.sem_alloc : memref<!tpu.dma_semaphore, #tpu.memory_space<semaphore_mem>>
      %dma_start3A_392 = arith.constant 0 : i32
      %dma_start3A_393 = tpu.memref_slice %arg2[%mul3A_2, %dma_start3A_392] : memref<512x100xi32, #tpu.memory_space<hbm>> -> memref<16x100xi32, #tpu.memory_space<hbm>>
      %dma_start3A_394 = arith.constant 0 : i32
      %dma_start3A_395 = tpu.memref_slice %arg2[%mul3A_2, %dma_start3A_394] : memref<512x100xi32, #tpu.memory_space<hbm>> -> memref<16x100xi32, #tpu.memory_space<hbm>>
      tpu.enqueue_dma source(%dma_start3A_395 : memref<16x100xi32, #tpu.memory_space<hbm>>) target(%arg5 : memref<16x100xi32, #tpu.memory_space<vmem>>) target_semaphore(%run_scoped3A : memref<!tpu.dma_semaphore, #tpu.memory_space<semaphore_mem>>)
      %dma_wait3A_396 = arith.constant 0 : i32
      %dma_wait3A_397 = tpu.memref_slice %arg2[%mul3A_2, %dma_wait3A_396] : memref<512x100xi32, #tpu.memory_space<hbm>> -> memref<16x100xi32, #tpu.memory_space<hbm>>
      %dma_wait3A_398 = arith.constant 0 : i32
      %dma_wait3A_399 = tpu.memref_slice %arg2[%mul3A_2, %dma_wait3A_398] : memref<512x100xi32, #tpu.memory_space<hbm>> -> memref<16x100xi32, #tpu.memory_space<hbm>>
      tpu.wait_dma2 semaphore(%run_scoped3A : memref<!tpu.dma_semaphore, #tpu.memory_space<semaphore_mem>>) src(%dma_wait3A_399 : memref<16x100xi32, #tpu.memory_space<hbm>>) dst(%arg5 : memref<16x100xi32, #tpu.memory_space<vmem>>)
      tpu.yield
    }) : () -> ()
    %dma_start3A = arith.constant 0 : i32
    %dma_start3A_3 = arith.constant 0 : i32
    %dma_start3A_4 = arith.constant 0 : i32
    %dma_start3A_5 = arith.constant 0 : i32
    %dma_start3A_6 = tpu.memref_slice %arg6[%dma_start3A_3, %dma_start3A_4, %dma_start3A_5] : memref<16x100x64xf32, #tpu.memory_space<vmem>> -> memref<1x100x64xf32, #tpu.memory_space<vmem>>
    %dma_start3A_7 = tpu.memref_squeeze %dma_start3A_6 : memref<1x100x64xf32, #tpu.memory_space<vmem>> -> memref<100x64xf32, #tpu.memory_space<vmem>>
    %dma_start3A_8 = arith.constant 0 : i32
    %dma_start3A_9 = tpu.memref_slice %arg5[%dma_start3A, %dma_start3A_8] : memref<16x100xi32, #tpu.memory_space<vmem>> -> memref<1x100xi32, #tpu.memory_space<vmem>>
    %dma_start3A_10 = tpu.memref_squeeze %dma_start3A_9 : memref<1x100xi32, #tpu.memory_space<vmem>> -> memref<100xi32, #tpu.memory_space<vmem>>
    %dma_start3A_11 = arith.constant 0 : i32
    %dma_start3A_12 = arith.constant 0 : i32
    %dma_start3A_13 = tpu.memref_slice %arg3[%dma_start3A_11, %dma_start3A_12] : memref<100000x64xf32, #tpu.memory_space<hbm>> -> memref<100000x64xf32, #tpu.memory_space<hbm>>
    tpu.enqueue_indirect_dma source(%dma_start3A_13 : memref<100000x64xf32, #tpu.memory_space<hbm>>) target(%dma_start3A_7 : memref<100x64xf32, #tpu.memory_space<vmem>>) offsets(%dma_start3A_10 : memref<100xi32, #tpu.memory_space<vmem>>) semaphore(%arg8 : memref<!tpu.dma_semaphore, #tpu.memory_space<semaphore_mem>>)
    %dma_start3A_14 = arith.constant 1 : i32
    %dma_start3A_15 = arith.constant 1 : i32
    %dma_start3A_16 = arith.constant 0 : i32
    %dma_start3A_17 = arith.constant 0 : i32
    %dma_start3A_18 = tpu.memref_slice %arg6[%dma_start3A_15, %dma_start3A_16, %dma_start3A_17] : memref<16x100x64xf32, #tpu.memory_space<vmem>> -> memref<1x100x64xf32, #tpu.memory_space<vmem>>
    %dma_start3A_19 = tpu.memref_squeeze %dma_start3A_18 : memref<1x100x64xf32, #tpu.memory_space<vmem>> -> memref<100x64xf32, #tpu.memory_space<vmem>>
    %dma_start3A_20 = arith.constant 0 : i32
    %dma_start3A_21 = tpu.memref_slice %arg5[%dma_start3A_14, %dma_start3A_20] : memref<16x100xi32, #tpu.memory_space<vmem>> -> memref<1x100xi32, #tpu.memory_space<vmem>>
    %dma_start3A_22 = tpu.memref_squeeze %dma_start3A_21 : memref<1x100xi32, #tpu.memory_space<vmem>> -> memref<100xi32, #tpu.memory_space<vmem>>
    %dma_start3A_23 = arith.constant 0 : i32
    %dma_start3A_24 = arith.constant 0 : i32
    %dma_start3A_25 = tpu.memref_slice %arg3[%dma_start3A_23, %dma_start3A_24] : memref<100000x64xf32, #tpu.memory_space<hbm>> -> memref<100000x64xf32, #tpu.memory_space<hbm>>
    tpu.enqueue_indirect_dma source(%dma_start3A_25 : memref<100000x64xf32, #tpu.memory_space<hbm>>) target(%dma_start3A_19 : memref<100x64xf32, #tpu.memory_space<vmem>>) offsets(%dma_start3A_22 : memref<100xi32, #tpu.memory_space<vmem>>) semaphore(%arg8 : memref<!tpu.dma_semaphore, #tpu.memory_space<semaphore_mem>>)
    %dma_start3A_26 = arith.constant 2 : i32
    %dma_start3A_27 = arith.constant 2 : i32
    %dma_start3A_28 = arith.constant 0 : i32
    %dma_start3A_29 = arith.constant 0 : i32
    %dma_start3A_30 = tpu.memref_slice %arg6[%dma_start3A_27, %dma_start3A_28, %dma_start3A_29] : memref<16x100x64xf32, #tpu.memory_space<vmem>> -> memref<1x100x64xf32, #tpu.memory_space<vmem>>
    %dma_start3A_31 = tpu.memref_squeeze %dma_start3A_30 : memref<1x100x64xf32, #tpu.memory_space<vmem>> -> memref<100x64xf32, #tpu.memory_space<vmem>>
    %dma_start3A_32 = arith.constant 0 : i32
    %dma_start3A_33 = tpu.memref_slice %arg5[%dma_start3A_26, %dma_start3A_32] : memref<16x100xi32, #tpu.memory_space<vmem>> -> memref<1x100xi32, #tpu.memory_space<vmem>>
    %dma_start3A_34 = tpu.memref_squeeze %dma_start3A_33 : memref<1x100xi32, #tpu.memory_space<vmem>> -> memref<100xi32, #tpu.memory_space<vmem>>
    %dma_start3A_35 = arith.constant 0 : i32
    %dma_start3A_36 = arith.constant 0 : i32
    %dma_start3A_37 = tpu.memref_slice %arg3[%dma_start3A_35, %dma_start3A_36] : memref<100000x64xf32, #tpu.memory_space<hbm>> -> memref<100000x64xf32, #tpu.memory_space<hbm>>
    tpu.enqueue_indirect_dma source(%dma_start3A_37 : memref<100000x64xf32, #tpu.memory_space<hbm>>) target(%dma_start3A_31 : memref<100x64xf32, #tpu.memory_space<vmem>>) offsets(%dma_start3A_34 : memref<100xi32, #tpu.memory_space<vmem>>) semaphore(%arg8 : memref<!tpu.dma_semaphore, #tpu.memory_space<semaphore_mem>>)
    %dma_start3A_38 = arith.constant 3 : i32
    %dma_start3A_39 = arith.constant 3 : i32
    %dma_start3A_40 = arith.constant 0 : i32
    %dma_start3A_41 = arith.constant 0 : i32
    %dma_start3A_42 = tpu.memref_slice %arg6[%dma_start3A_39, %dma_start3A_40, %dma_start3A_41] : memref<16x100x64xf32, #tpu.memory_space<vmem>> -> memref<1x100x64xf32, #tpu.memory_space<vmem>>
    %dma_start3A_43 = tpu.memref_squeeze %dma_start3A_42 : memref<1x100x64xf32, #tpu.memory_space<vmem>> -> memref<100x64xf32, #tpu.memory_space<vmem>>
    %dma_start3A_44 = arith.constant 0 : i32
    %dma_start3A_45 = tpu.memref_slice %arg5[%dma_start3A_38, %dma_start3A_44] : memref<16x100xi32, #tpu.memory_space<vmem>> -> memref<1x100xi32, #tpu.memory_space<vmem>>
    %dma_start3A_46 = tpu.memref_squeeze %dma_start3A_45 : memref<1x100xi32, #tpu.memory_space<vmem>> -> memref<100xi32, #tpu.memory_space<vmem>>
    %dma_start3A_47 = arith.constant 0 : i32
    %dma_start3A_48 = arith.constant 0 : i32
    %dma_start3A_49 = tpu.memref_slice %arg3[%dma_start3A_47, %dma_start3A_48] : memref<100000x64xf32, #tpu.memory_space<hbm>> -> memref<100000x64xf32, #tpu.memory_space<hbm>>
    tpu.enqueue_indirect_dma source(%dma_start3A_49 : memref<100000x64xf32, #tpu.memory_space<hbm>>) target(%dma_start3A_43 : memref<100x64xf32, #tpu.memory_space<vmem>>) offsets(%dma_start3A_46 : memref<100xi32, #tpu.memory_space<vmem>>) semaphore(%arg8 : memref<!tpu.dma_semaphore, #tpu.memory_space<semaphore_mem>>)
    %dma_start3A_50 = arith.constant 4 : i32
    %dma_start3A_51 = arith.constant 4 : i32
    %dma_start3A_52 = arith.constant 0 : i32
    %dma_start3A_53 = arith.constant 0 : i32
    %dma_start3A_54 = tpu.memref_slice %arg6[%dma_start3A_51, %dma_start3A_52, %dma_start3A_53] : memref<16x100x64xf32, #tpu.memory_space<vmem>> -> memref<1x100x64xf32, #tpu.memory_space<vmem>>
    %dma_start3A_55 = tpu.memref_squeeze %dma_start3A_54 : memref<1x100x64xf32, #tpu.memory_space<vmem>> -> memref<100x64xf32, #tpu.memory_space<vmem>>
    %dma_start3A_56 = arith.constant 0 : i32
    %dma_start3A_57 = tpu.memref_slice %arg5[%dma_start3A_50, %dma_start3A_56] : memref<16x100xi32, #tpu.memory_space<vmem>> -> memref<1x100xi32, #tpu.memory_space<vmem>>
    %dma_start3A_58 = tpu.memref_squeeze %dma_start3A_57 : memref<1x100xi32, #tpu.memory_space<vmem>> -> memref<100xi32, #tpu.memory_space<vmem>>
    %dma_start3A_59 = arith.constant 0 : i32
    %dma_start3A_60 = arith.constant 0 : i32
    %dma_start3A_61 = tpu.memref_slice %arg3[%dma_start3A_59, %dma_start3A_60] : memref<100000x64xf32, #tpu.memory_space<hbm>> -> memref<100000x64xf32, #tpu.memory_space<hbm>>
    tpu.enqueue_indirect_dma source(%dma_start3A_61 : memref<100000x64xf32, #tpu.memory_space<hbm>>) target(%dma_start3A_55 : memref<100x64xf32, #tpu.memory_space<vmem>>) offsets(%dma_start3A_58 : memref<100xi32, #tpu.memory_space<vmem>>) semaphore(%arg8 : memref<!tpu.dma_semaphore, #tpu.memory_space<semaphore_mem>>)
    %dma_start3A_62 = arith.constant 5 : i32
    %dma_start3A_63 = arith.constant 5 : i32
    %dma_start3A_64 = arith.constant 0 : i32
    %dma_start3A_65 = arith.constant 0 : i32
    %dma_start3A_66 = tpu.memref_slice %arg6[%dma_start3A_63, %dma_start3A_64, %dma_start3A_65] : memref<16x100x64xf32, #tpu.memory_space<vmem>> -> memref<1x100x64xf32, #tpu.memory_space<vmem>>
    %dma_start3A_67 = tpu.memref_squeeze %dma_start3A_66 : memref<1x100x64xf32, #tpu.memory_space<vmem>> -> memref<100x64xf32, #tpu.memory_space<vmem>>
    %dma_start3A_68 = arith.constant 0 : i32
    %dma_start3A_69 = tpu.memref_slice %arg5[%dma_start3A_62, %dma_start3A_68] : memref<16x100xi32, #tpu.memory_space<vmem>> -> memref<1x100xi32, #tpu.memory_space<vmem>>
    %dma_start3A_70 = tpu.memref_squeeze %dma_start3A_69 : memref<1x100xi32, #tpu.memory_space<vmem>> -> memref<100xi32, #tpu.memory_space<vmem>>
    %dma_start3A_71 = arith.constant 0 : i32
    %dma_start3A_72 = arith.constant 0 : i32
    %dma_start3A_73 = tpu.memref_slice %arg3[%dma_start3A_71, %dma_start3A_72] : memref<100000x64xf32, #tpu.memory_space<hbm>> -> memref<100000x64xf32, #tpu.memory_space<hbm>>
    tpu.enqueue_indirect_dma source(%dma_start3A_73 : memref<100000x64xf32, #tpu.memory_space<hbm>>) target(%dma_start3A_67 : memref<100x64xf32, #tpu.memory_space<vmem>>) offsets(%dma_start3A_70 : memref<100xi32, #tpu.memory_space<vmem>>) semaphore(%arg8 : memref<!tpu.dma_semaphore, #tpu.memory_space<semaphore_mem>>)
    %dma_start3A_74 = arith.constant 6 : i32
    %dma_start3A_75 = arith.constant 6 : i32
    %dma_start3A_76 = arith.constant 0 : i32
    %dma_start3A_77 = arith.constant 0 : i32
    %dma_start3A_78 = tpu.memref_slice %arg6[%dma_start3A_75, %dma_start3A_76, %dma_start3A_77] : memref<16x100x64xf32, #tpu.memory_space<vmem>> -> memref<1x100x64xf32, #tpu.memory_space<vmem>>
    %dma_start3A_79 = tpu.memref_squeeze %dma_start3A_78 : memref<1x100x64xf32, #tpu.memory_space<vmem>> -> memref<100x64xf32, #tpu.memory_space<vmem>>
    %dma_start3A_80 = arith.constant 0 : i32
    %dma_start3A_81 = tpu.memref_slice %arg5[%dma_start3A_74, %dma_start3A_80] : memref<16x100xi32, #tpu.memory_space<vmem>> -> memref<1x100xi32, #tpu.memory_space<vmem>>
    %dma_start3A_82 = tpu.memref_squeeze %dma_start3A_81 : memref<1x100xi32, #tpu.memory_space<vmem>> -> memref<100xi32, #tpu.memory_space<vmem>>
    %dma_start3A_83 = arith.constant 0 : i32
    %dma_start3A_84 = arith.constant 0 : i32
    %dma_start3A_85 = tpu.memref_slice %arg3[%dma_start3A_83, %dma_start3A_84] : memref<100000x64xf32, #tpu.memory_space<hbm>> -> memref<100000x64xf32, #tpu.memory_space<hbm>>
    tpu.enqueue_indirect_dma source(%dma_start3A_85 : memref<100000x64xf32, #tpu.memory_space<hbm>>) target(%dma_start3A_79 : memref<100x64xf32, #tpu.memory_space<vmem>>) offsets(%dma_start3A_82 : memref<100xi32, #tpu.memory_space<vmem>>) semaphore(%arg8 : memref<!tpu.dma_semaphore, #tpu.memory_space<semaphore_mem>>)
    %dma_start3A_86 = arith.constant 7 : i32
    %dma_start3A_87 = arith.constant 7 : i32
    %dma_start3A_88 = arith.constant 0 : i32
    %dma_start3A_89 = arith.constant 0 : i32
    %dma_start3A_90 = tpu.memref_slice %arg6[%dma_start3A_87, %dma_start3A_88, %dma_start3A_89] : memref<16x100x64xf32, #tpu.memory_space<vmem>> -> memref<1x100x64xf32, #tpu.memory_space<vmem>>
    %dma_start3A_91 = tpu.memref_squeeze %dma_start3A_90 : memref<1x100x64xf32, #tpu.memory_space<vmem>> -> memref<100x64xf32, #tpu.memory_space<vmem>>
    %dma_start3A_92 = arith.constant 0 : i32
    %dma_start3A_93 = tpu.memref_slice %arg5[%dma_start3A_86, %dma_start3A_92] : memref<16x100xi32, #tpu.memory_space<vmem>> -> memref<1x100xi32, #tpu.memory_space<vmem>>
    %dma_start3A_94 = tpu.memref_squeeze %dma_start3A_93 : memref<1x100xi32, #tpu.memory_space<vmem>> -> memref<100xi32, #tpu.memory_space<vmem>>
    %dma_start3A_95 = arith.constant 0 : i32
    %dma_start3A_96 = arith.constant 0 : i32
    %dma_start3A_97 = tpu.memref_slice %arg3[%dma_start3A_95, %dma_start3A_96] : memref<100000x64xf32, #tpu.memory_space<hbm>> -> memref<100000x64xf32, #tpu.memory_space<hbm>>
    tpu.enqueue_indirect_dma source(%dma_start3A_97 : memref<100000x64xf32, #tpu.memory_space<hbm>>) target(%dma_start3A_91 : memref<100x64xf32, #tpu.memory_space<vmem>>) offsets(%dma_start3A_94 : memref<100xi32, #tpu.memory_space<vmem>>) semaphore(%arg8 : memref<!tpu.dma_semaphore, #tpu.memory_space<semaphore_mem>>)
    %dma_start3A_98 = arith.constant 8 : i32
    %dma_start3A_99 = arith.constant 8 : i32
    %dma_start3A_100 = arith.constant 0 : i32
    %dma_start3A_101 = arith.constant 0 : i32
    %dma_start3A_102 = tpu.memref_slice %arg6[%dma_start3A_99, %dma_start3A_100, %dma_start3A_101] : memref<16x100x64xf32, #tpu.memory_space<vmem>> -> memref<1x100x64xf32, #tpu.memory_space<vmem>>
    %dma_start3A_103 = tpu.memref_squeeze %dma_start3A_102 : memref<1x100x64xf32, #tpu.memory_space<vmem>> -> memref<100x64xf32, #tpu.memory_space<vmem>>
    %dma_start3A_104 = arith.constant 0 : i32
    %dma_start3A_105 = tpu.memref_slice %arg5[%dma_start3A_98, %dma_start3A_104] : memref<16x100xi32, #tpu.memory_space<vmem>> -> memref<1x100xi32, #tpu.memory_space<vmem>>
    %dma_start3A_106 = tpu.memref_squeeze %dma_start3A_105 : memref<1x100xi32, #tpu.memory_space<vmem>> -> memref<100xi32, #tpu.memory_space<vmem>>
    %dma_start3A_107 = arith.constant 0 : i32
    %dma_start3A_108 = arith.constant 0 : i32
    %dma_start3A_109 = tpu.memref_slice %arg3[%dma_start3A_107, %dma_start3A_108] : memref<100000x64xf32, #tpu.memory_space<hbm>> -> memref<100000x64xf32, #tpu.memory_space<hbm>>
    tpu.enqueue_indirect_dma source(%dma_start3A_109 : memref<100000x64xf32, #tpu.memory_space<hbm>>) target(%dma_start3A_103 : memref<100x64xf32, #tpu.memory_space<vmem>>) offsets(%dma_start3A_106 : memref<100xi32, #tpu.memory_space<vmem>>) semaphore(%arg8 : memref<!tpu.dma_semaphore, #tpu.memory_space<semaphore_mem>>)
    %dma_start3A_110 = arith.constant 9 : i32
    %dma_start3A_111 = arith.constant 9 : i32
    %dma_start3A_112 = arith.constant 0 : i32
    %dma_start3A_113 = arith.constant 0 : i32
    %dma_start3A_114 = tpu.memref_slice %arg6[%dma_start3A_111, %dma_start3A_112, %dma_start3A_113] : memref<16x100x64xf32, #tpu.memory_space<vmem>> -> memref<1x100x64xf32, #tpu.memory_space<vmem>>
    %dma_start3A_115 = tpu.memref_squeeze %dma_start3A_114 : memref<1x100x64xf32, #tpu.memory_space<vmem>> -> memref<100x64xf32, #tpu.memory_space<vmem>>
    %dma_start3A_116 = arith.constant 0 : i32
    %dma_start3A_117 = tpu.memref_slice %arg5[%dma_start3A_110, %dma_start3A_116] : memref<16x100xi32, #tpu.memory_space<vmem>> -> memref<1x100xi32, #tpu.memory_space<vmem>>
    %dma_start3A_118 = tpu.memref_squeeze %dma_start3A_117 : memref<1x100xi32, #tpu.memory_space<vmem>> -> memref<100xi32, #tpu.memory_space<vmem>>
    %dma_start3A_119 = arith.constant 0 : i32
    %dma_start3A_120 = arith.constant 0 : i32
    %dma_start3A_121 = tpu.memref_slice %arg3[%dma_start3A_119, %dma_start3A_120] : memref<100000x64xf32, #tpu.memory_space<hbm>> -> memref<100000x64xf32, #tpu.memory_space<hbm>>
    tpu.enqueue_indirect_dma source(%dma_start3A_121 : memref<100000x64xf32, #tpu.memory_space<hbm>>) target(%dma_start3A_115 : memref<100x64xf32, #tpu.memory_space<vmem>>) offsets(%dma_start3A_118 : memref<100xi32, #tpu.memory_space<vmem>>) semaphore(%arg8 : memref<!tpu.dma_semaphore, #tpu.memory_space<semaphore_mem>>)
    %dma_start3A_122 = arith.constant 10 : i32
    %dma_start3A_123 = arith.constant 10 : i32
    %dma_start3A_124 = arith.constant 0 : i32
    %dma_start3A_125 = arith.constant 0 : i32
    %dma_start3A_126 = tpu.memref_slice %arg6[%dma_start3A_123, %dma_start3A_124, %dma_start3A_125] : memref<16x100x64xf32, #tpu.memory_space<vmem>> -> memref<1x100x64xf32, #tpu.memory_space<vmem>>
    %dma_start3A_127 = tpu.memref_squeeze %dma_start3A_126 : memref<1x100x64xf32, #tpu.memory_space<vmem>> -> memref<100x64xf32, #tpu.memory_space<vmem>>
    %dma_start3A_128 = arith.constant 0 : i32
    %dma_start3A_129 = tpu.memref_slice %arg5[%dma_start3A_122, %dma_start3A_128] : memref<16x100xi32, #tpu.memory_space<vmem>> -> memref<1x100xi32, #tpu.memory_space<vmem>>
    %dma_start3A_130 = tpu.memref_squeeze %dma_start3A_129 : memref<1x100xi32, #tpu.memory_space<vmem>> -> memref<100xi32, #tpu.memory_space<vmem>>
    %dma_start3A_131 = arith.constant 0 : i32
    %dma_start3A_132 = arith.constant 0 : i32
    %dma_start3A_133 = tpu.memref_slice %arg3[%dma_start3A_131, %dma_start3A_132] : memref<100000x64xf32, #tpu.memory_space<hbm>> -> memref<100000x64xf32, #tpu.memory_space<hbm>>
    tpu.enqueue_indirect_dma source(%dma_start3A_133 : memref<100000x64xf32, #tpu.memory_space<hbm>>) target(%dma_start3A_127 : memref<100x64xf32, #tpu.memory_space<vmem>>) offsets(%dma_start3A_130 : memref<100xi32, #tpu.memory_space<vmem>>) semaphore(%arg8 : memref<!tpu.dma_semaphore, #tpu.memory_space<semaphore_mem>>)
    %dma_start3A_134 = arith.constant 11 : i32
    %dma_start3A_135 = arith.constant 11 : i32
    %dma_start3A_136 = arith.constant 0 : i32
    %dma_start3A_137 = arith.constant 0 : i32
    %dma_start3A_138 = tpu.memref_slice %arg6[%dma_start3A_135, %dma_start3A_136, %dma_start3A_137] : memref<16x100x64xf32, #tpu.memory_space<vmem>> -> memref<1x100x64xf32, #tpu.memory_space<vmem>>
    %dma_start3A_139 = tpu.memref_squeeze %dma_start3A_138 : memref<1x100x64xf32, #tpu.memory_space<vmem>> -> memref<100x64xf32, #tpu.memory_space<vmem>>
    %dma_start3A_140 = arith.constant 0 : i32
    %dma_start3A_141 = tpu.memref_slice %arg5[%dma_start3A_134, %dma_start3A_140] : memref<16x100xi32, #tpu.memory_space<vmem>> -> memref<1x100xi32, #tpu.memory_space<vmem>>
    %dma_start3A_142 = tpu.memref_squeeze %dma_start3A_141 : memref<1x100xi32, #tpu.memory_space<vmem>> -> memref<100xi32, #tpu.memory_space<vmem>>
    %dma_start3A_143 = arith.constant 0 : i32
    %dma_start3A_144 = arith.constant 0 : i32
    %dma_start3A_145 = tpu.memref_slice %arg3[%dma_start3A_143, %dma_start3A_144] : memref<100000x64xf32, #tpu.memory_space<hbm>> -> memref<100000x64xf32, #tpu.memory_space<hbm>>
    tpu.enqueue_indirect_dma source(%dma_start3A_145 : memref<100000x64xf32, #tpu.memory_space<hbm>>) target(%dma_start3A_139 : memref<100x64xf32, #tpu.memory_space<vmem>>) offsets(%dma_start3A_142 : memref<100xi32, #tpu.memory_space<vmem>>) semaphore(%arg8 : memref<!tpu.dma_semaphore, #tpu.memory_space<semaphore_mem>>)
    %dma_start3A_146 = arith.constant 12 : i32
    %dma_start3A_147 = arith.constant 12 : i32
    %dma_start3A_148 = arith.constant 0 : i32
    %dma_start3A_149 = arith.constant 0 : i32
    %dma_start3A_150 = tpu.memref_slice %arg6[%dma_start3A_147, %dma_start3A_148, %dma_start3A_149] : memref<16x100x64xf32, #tpu.memory_space<vmem>> -> memref<1x100x64xf32, #tpu.memory_space<vmem>>
    %dma_start3A_151 = tpu.memref_squeeze %dma_start3A_150 : memref<1x100x64xf32, #tpu.memory_space<vmem>> -> memref<100x64xf32, #tpu.memory_space<vmem>>
    %dma_start3A_152 = arith.constant 0 : i32
    %dma_start3A_153 = tpu.memref_slice %arg5[%dma_start3A_146, %dma_start3A_152] : memref<16x100xi32, #tpu.memory_space<vmem>> -> memref<1x100xi32, #tpu.memory_space<vmem>>
    %dma_start3A_154 = tpu.memref_squeeze %dma_start3A_153 : memref<1x100xi32, #tpu.memory_space<vmem>> -> memref<100xi32, #tpu.memory_space<vmem>>
    %dma_start3A_155 = arith.constant 0 : i32
    %dma_start3A_156 = arith.constant 0 : i32
    %dma_start3A_157 = tpu.memref_slice %arg3[%dma_start3A_155, %dma_start3A_156] : memref<100000x64xf32, #tpu.memory_space<hbm>> -> memref<100000x64xf32, #tpu.memory_space<hbm>>
    tpu.enqueue_indirect_dma source(%dma_start3A_157 : memref<100000x64xf32, #tpu.memory_space<hbm>>) target(%dma_start3A_151 : memref<100x64xf32, #tpu.memory_space<vmem>>) offsets(%dma_start3A_154 : memref<100xi32, #tpu.memory_space<vmem>>) semaphore(%arg8 : memref<!tpu.dma_semaphore, #tpu.memory_space<semaphore_mem>>)
    %dma_start3A_158 = arith.constant 13 : i32
    %dma_start3A_159 = arith.constant 13 : i32
    %dma_start3A_160 = arith.constant 0 : i32
    %dma_start3A_161 = arith.constant 0 : i32
    %dma_start3A_162 = tpu.memref_slice %arg6[%dma_start3A_159, %dma_start3A_160, %dma_start3A_161] : memref<16x100x64xf32, #tpu.memory_space<vmem>> -> memref<1x100x64xf32, #tpu.memory_space<vmem>>
    %dma_start3A_163 = tpu.memref_squeeze %dma_start3A_162 : memref<1x100x64xf32, #tpu.memory_space<vmem>> -> memref<100x64xf32, #tpu.memory_space<vmem>>
    %dma_start3A_164 = arith.constant 0 : i32
    %dma_start3A_165 = tpu.memref_slice %arg5[%dma_start3A_158, %dma_start3A_164] : memref<16x100xi32, #tpu.memory_space<vmem>> -> memref<1x100xi32, #tpu.memory_space<vmem>>
    %dma_start3A_166 = tpu.memref_squeeze %dma_start3A_165 : memref<1x100xi32, #tpu.memory_space<vmem>> -> memref<100xi32, #tpu.memory_space<vmem>>
    %dma_start3A_167 = arith.constant 0 : i32
    %dma_start3A_168 = arith.constant 0 : i32
    %dma_start3A_169 = tpu.memref_slice %arg3[%dma_start3A_167, %dma_start3A_168] : memref<100000x64xf32, #tpu.memory_space<hbm>> -> memref<100000x64xf32, #tpu.memory_space<hbm>>
    tpu.enqueue_indirect_dma source(%dma_start3A_169 : memref<100000x64xf32, #tpu.memory_space<hbm>>) target(%dma_start3A_163 : memref<100x64xf32, #tpu.memory_space<vmem>>) offsets(%dma_start3A_166 : memref<100xi32, #tpu.memory_space<vmem>>) semaphore(%arg8 : memref<!tpu.dma_semaphore, #tpu.memory_space<semaphore_mem>>)
    %dma_start3A_170 = arith.constant 14 : i32
    %dma_start3A_171 = arith.constant 14 : i32
    %dma_start3A_172 = arith.constant 0 : i32
    %dma_start3A_173 = arith.constant 0 : i32
    %dma_start3A_174 = tpu.memref_slice %arg6[%dma_start3A_171, %dma_start3A_172, %dma_start3A_173] : memref<16x100x64xf32, #tpu.memory_space<vmem>> -> memref<1x100x64xf32, #tpu.memory_space<vmem>>
    %dma_start3A_175 = tpu.memref_squeeze %dma_start3A_174 : memref<1x100x64xf32, #tpu.memory_space<vmem>> -> memref<100x64xf32, #tpu.memory_space<vmem>>
    %dma_start3A_176 = arith.constant 0 : i32
    %dma_start3A_177 = tpu.memref_slice %arg5[%dma_start3A_170, %dma_start3A_176] : memref<16x100xi32, #tpu.memory_space<vmem>> -> memref<1x100xi32, #tpu.memory_space<vmem>>
    %dma_start3A_178 = tpu.memref_squeeze %dma_start3A_177 : memref<1x100xi32, #tpu.memory_space<vmem>> -> memref<100xi32, #tpu.memory_space<vmem>>
    %dma_start3A_179 = arith.constant 0 : i32
    %dma_start3A_180 = arith.constant 0 : i32
    %dma_start3A_181 = tpu.memref_slice %arg3[%dma_start3A_179, %dma_start3A_180] : memref<100000x64xf32, #tpu.memory_space<hbm>> -> memref<100000x64xf32, #tpu.memory_space<hbm>>
    tpu.enqueue_indirect_dma source(%dma_start3A_181 : memref<100000x64xf32, #tpu.memory_space<hbm>>) target(%dma_start3A_175 : memref<100x64xf32, #tpu.memory_space<vmem>>) offsets(%dma_start3A_178 : memref<100xi32, #tpu.memory_space<vmem>>) semaphore(%arg8 : memref<!tpu.dma_semaphore, #tpu.memory_space<semaphore_mem>>)
    %dma_start3A_182 = arith.constant 15 : i32
    %dma_start3A_183 = arith.constant 15 : i32
    %dma_start3A_184 = arith.constant 0 : i32
    %dma_start3A_185 = arith.constant 0 : i32
    %dma_start3A_186 = tpu.memref_slice %arg6[%dma_start3A_183, %dma_start3A_184, %dma_start3A_185] : memref<16x100x64xf32, #tpu.memory_space<vmem>> -> memref<1x100x64xf32, #tpu.memory_space<vmem>>
    %dma_start3A_187 = tpu.memref_squeeze %dma_start3A_186 : memref<1x100x64xf32, #tpu.memory_space<vmem>> -> memref<100x64xf32, #tpu.memory_space<vmem>>
    %dma_start3A_188 = arith.constant 0 : i32
    %dma_start3A_189 = tpu.memref_slice %arg5[%dma_start3A_182, %dma_start3A_188] : memref<16x100xi32, #tpu.memory_space<vmem>> -> memref<1x100xi32, #tpu.memory_space<vmem>>
    %dma_start3A_190 = tpu.memref_squeeze %dma_start3A_189 : memref<1x100xi32, #tpu.memory_space<vmem>> -> memref<100xi32, #tpu.memory_space<vmem>>
    %dma_start3A_191 = arith.constant 0 : i32
    %dma_start3A_192 = arith.constant 0 : i32
    %dma_start3A_193 = tpu.memref_slice %arg3[%dma_start3A_191, %dma_start3A_192] : memref<100000x64xf32, #tpu.memory_space<hbm>> -> memref<100000x64xf32, #tpu.memory_space<hbm>>
    tpu.enqueue_indirect_dma source(%dma_start3A_193 : memref<100000x64xf32, #tpu.memory_space<hbm>>) target(%dma_start3A_187 : memref<100x64xf32, #tpu.memory_space<vmem>>) offsets(%dma_start3A_190 : memref<100xi32, #tpu.memory_space<vmem>>) semaphore(%arg8 : memref<!tpu.dma_semaphore, #tpu.memory_space<semaphore_mem>>)
    %dma_wait3A = arith.constant 0 : i32
    %dma_wait3A_194 = arith.constant 0 : i32
    %dma_wait3A_195 = arith.constant 0 : i32
    %dma_wait3A_196 = arith.constant 0 : i32
    %dma_wait3A_197 = tpu.memref_slice %arg6[%dma_wait3A_194, %dma_wait3A_195, %dma_wait3A_196] : memref<16x100x64xf32, #tpu.memory_space<vmem>> -> memref<1x100x64xf32, #tpu.memory_space<vmem>>
    %dma_wait3A_198 = tpu.memref_squeeze %dma_wait3A_197 : memref<1x100x64xf32, #tpu.memory_space<vmem>> -> memref<100x64xf32, #tpu.memory_space<vmem>>
    %dma_wait3A_199 = arith.constant 0 : i32
    %dma_wait3A_200 = tpu.memref_slice %arg5[%dma_wait3A, %dma_wait3A_199] : memref<16x100xi32, #tpu.memory_space<vmem>> -> memref<1x100xi32, #tpu.memory_space<vmem>>
    %dma_wait3A_201 = tpu.memref_squeeze %dma_wait3A_200 : memref<1x100xi32, #tpu.memory_space<vmem>> -> memref<100xi32, #tpu.memory_space<vmem>>
    %dma_wait3A_202 = arith.constant 0 : i32
    %dma_wait3A_203 = arith.constant 0 : i32
    %dma_wait3A_204 = tpu.memref_slice %arg3[%dma_wait3A_202, %dma_wait3A_203] : memref<100000x64xf32, #tpu.memory_space<hbm>> -> memref<100000x64xf32, #tpu.memory_space<hbm>>
    tpu.wait_indirect_dma semaphore(%arg8 : memref<!tpu.dma_semaphore, #tpu.memory_space<semaphore_mem>>) src(%dma_wait3A_204 : memref<100000x64xf32, #tpu.memory_space<hbm>>) dst(%dma_wait3A_198 : memref<100x64xf32, #tpu.memory_space<vmem>>)
    %dma_wait3A_205 = arith.constant 1 : i32
    %dma_wait3A_206 = arith.constant 1 : i32
    %dma_wait3A_207 = arith.constant 0 : i32
    %dma_wait3A_208 = arith.constant 0 : i32
    %dma_wait3A_209 = tpu.memref_slice %arg6[%dma_wait3A_206, %dma_wait3A_207, %dma_wait3A_208] : memref<16x100x64xf32, #tpu.memory_space<vmem>> -> memref<1x100x64xf32, #tpu.memory_space<vmem>>
    %dma_wait3A_210 = tpu.memref_squeeze %dma_wait3A_209 : memref<1x100x64xf32, #tpu.memory_space<vmem>> -> memref<100x64xf32, #tpu.memory_space<vmem>>
    %dma_wait3A_211 = arith.constant 0 : i32
    %dma_wait3A_212 = tpu.memref_slice %arg5[%dma_wait3A_205, %dma_wait3A_211] : memref<16x100xi32, #tpu.memory_space<vmem>> -> memref<1x100xi32, #tpu.memory_space<vmem>>
    %dma_wait3A_213 = tpu.memref_squeeze %dma_wait3A_212 : memref<1x100xi32, #tpu.memory_space<vmem>> -> memref<100xi32, #tpu.memory_space<vmem>>
    %dma_wait3A_214 = arith.constant 0 : i32
    %dma_wait3A_215 = arith.constant 0 : i32
    %dma_wait3A_216 = tpu.memref_slice %arg3[%dma_wait3A_214, %dma_wait3A_215] : memref<100000x64xf32, #tpu.memory_space<hbm>> -> memref<100000x64xf32, #tpu.memory_space<hbm>>
    tpu.wait_indirect_dma semaphore(%arg8 : memref<!tpu.dma_semaphore, #tpu.memory_space<semaphore_mem>>) src(%dma_wait3A_216 : memref<100000x64xf32, #tpu.memory_space<hbm>>) dst(%dma_wait3A_210 : memref<100x64xf32, #tpu.memory_space<vmem>>)
    %dma_wait3A_217 = arith.constant 2 : i32
    %dma_wait3A_218 = arith.constant 2 : i32
    %dma_wait3A_219 = arith.constant 0 : i32
    %dma_wait3A_220 = arith.constant 0 : i32
    %dma_wait3A_221 = tpu.memref_slice %arg6[%dma_wait3A_218, %dma_wait3A_219, %dma_wait3A_220] : memref<16x100x64xf32, #tpu.memory_space<vmem>> -> memref<1x100x64xf32, #tpu.memory_space<vmem>>
    %dma_wait3A_222 = tpu.memref_squeeze %dma_wait3A_221 : memref<1x100x64xf32, #tpu.memory_space<vmem>> -> memref<100x64xf32, #tpu.memory_space<vmem>>
    %dma_wait3A_223 = arith.constant 0 : i32
    %dma_wait3A_224 = tpu.memref_slice %arg5[%dma_wait3A_217, %dma_wait3A_223] : memref<16x100xi32, #tpu.memory_space<vmem>> -> memref<1x100xi32, #tpu.memory_space<vmem>>
    %dma_wait3A_225 = tpu.memref_squeeze %dma_wait3A_224 : memref<1x100xi32, #tpu.memory_space<vmem>> -> memref<100xi32, #tpu.memory_space<vmem>>
    %dma_wait3A_226 = arith.constant 0 : i32
    %dma_wait3A_227 = arith.constant 0 : i32
    %dma_wait3A_228 = tpu.memref_slice %arg3[%dma_wait3A_226, %dma_wait3A_227] : memref<100000x64xf32, #tpu.memory_space<hbm>> -> memref<100000x64xf32, #tpu.memory_space<hbm>>
    tpu.wait_indirect_dma semaphore(%arg8 : memref<!tpu.dma_semaphore, #tpu.memory_space<semaphore_mem>>) src(%dma_wait3A_228 : memref<100000x64xf32, #tpu.memory_space<hbm>>) dst(%dma_wait3A_222 : memref<100x64xf32, #tpu.memory_space<vmem>>)
    %dma_wait3A_229 = arith.constant 3 : i32
    %dma_wait3A_230 = arith.constant 3 : i32
    %dma_wait3A_231 = arith.constant 0 : i32
    %dma_wait3A_232 = arith.constant 0 : i32
    %dma_wait3A_233 = tpu.memref_slice %arg6[%dma_wait3A_230, %dma_wait3A_231, %dma_wait3A_232] : memref<16x100x64xf32, #tpu.memory_space<vmem>> -> memref<1x100x64xf32, #tpu.memory_space<vmem>>
    %dma_wait3A_234 = tpu.memref_squeeze %dma_wait3A_233 : memref<1x100x64xf32, #tpu.memory_space<vmem>> -> memref<100x64xf32, #tpu.memory_space<vmem>>
    %dma_wait3A_235 = arith.constant 0 : i32
    %dma_wait3A_236 = tpu.memref_slice %arg5[%dma_wait3A_229, %dma_wait3A_235] : memref<16x100xi32, #tpu.memory_space<vmem>> -> memref<1x100xi32, #tpu.memory_space<vmem>>
    %dma_wait3A_237 = tpu.memref_squeeze %dma_wait3A_236 : memref<1x100xi32, #tpu.memory_space<vmem>> -> memref<100xi32, #tpu.memory_space<vmem>>
    %dma_wait3A_238 = arith.constant 0 : i32
    %dma_wait3A_239 = arith.constant 0 : i32
    %dma_wait3A_240 = tpu.memref_slice %arg3[%dma_wait3A_238, %dma_wait3A_239] : memref<100000x64xf32, #tpu.memory_space<hbm>> -> memref<100000x64xf32, #tpu.memory_space<hbm>>
    tpu.wait_indirect_dma semaphore(%arg8 : memref<!tpu.dma_semaphore, #tpu.memory_space<semaphore_mem>>) src(%dma_wait3A_240 : memref<100000x64xf32, #tpu.memory_space<hbm>>) dst(%dma_wait3A_234 : memref<100x64xf32, #tpu.memory_space<vmem>>)
    %dma_wait3A_241 = arith.constant 4 : i32
    %dma_wait3A_242 = arith.constant 4 : i32
    %dma_wait3A_243 = arith.constant 0 : i32
    %dma_wait3A_244 = arith.constant 0 : i32
    %dma_wait3A_245 = tpu.memref_slice %arg6[%dma_wait3A_242, %dma_wait3A_243, %dma_wait3A_244] : memref<16x100x64xf32, #tpu.memory_space<vmem>> -> memref<1x100x64xf32, #tpu.memory_space<vmem>>
    %dma_wait3A_246 = tpu.memref_squeeze %dma_wait3A_245 : memref<1x100x64xf32, #tpu.memory_space<vmem>> -> memref<100x64xf32, #tpu.memory_space<vmem>>
    %dma_wait3A_247 = arith.constant 0 : i32
    %dma_wait3A_248 = tpu.memref_slice %arg5[%dma_wait3A_241, %dma_wait3A_247] : memref<16x100xi32, #tpu.memory_space<vmem>> -> memref<1x100xi32, #tpu.memory_space<vmem>>
    %dma_wait3A_249 = tpu.memref_squeeze %dma_wait3A_248 : memref<1x100xi32, #tpu.memory_space<vmem>> -> memref<100xi32, #tpu.memory_space<vmem>>
    %dma_wait3A_250 = arith.constant 0 : i32
    %dma_wait3A_251 = arith.constant 0 : i32
    %dma_wait3A_252 = tpu.memref_slice %arg3[%dma_wait3A_250, %dma_wait3A_251] : memref<100000x64xf32, #tpu.memory_space<hbm>> -> memref<100000x64xf32, #tpu.memory_space<hbm>>
    tpu.wait_indirect_dma semaphore(%arg8 : memref<!tpu.dma_semaphore, #tpu.memory_space<semaphore_mem>>) src(%dma_wait3A_252 : memref<100000x64xf32, #tpu.memory_space<hbm>>) dst(%dma_wait3A_246 : memref<100x64xf32, #tpu.memory_space<vmem>>)
    %dma_wait3A_253 = arith.constant 5 : i32
    %dma_wait3A_254 = arith.constant 5 : i32
    %dma_wait3A_255 = arith.constant 0 : i32
    %dma_wait3A_256 = arith.constant 0 : i32
    %dma_wait3A_257 = tpu.memref_slice %arg6[%dma_wait3A_254, %dma_wait3A_255, %dma_wait3A_256] : memref<16x100x64xf32, #tpu.memory_space<vmem>> -> memref<1x100x64xf32, #tpu.memory_space<vmem>>
    %dma_wait3A_258 = tpu.memref_squeeze %dma_wait3A_257 : memref<1x100x64xf32, #tpu.memory_space<vmem>> -> memref<100x64xf32, #tpu.memory_space<vmem>>
    %dma_wait3A_259 = arith.constant 0 : i32
    %dma_wait3A_260 = tpu.memref_slice %arg5[%dma_wait3A_253, %dma_wait3A_259] : memref<16x100xi32, #tpu.memory_space<vmem>> -> memref<1x100xi32, #tpu.memory_space<vmem>>
    %dma_wait3A_261 = tpu.memref_squeeze %dma_wait3A_260 : memref<1x100xi32, #tpu.memory_space<vmem>> -> memref<100xi32, #tpu.memory_space<vmem>>
    %dma_wait3A_262 = arith.constant 0 : i32
    %dma_wait3A_263 = arith.constant 0 : i32
    %dma_wait3A_264 = tpu.memref_slice %arg3[%dma_wait3A_262, %dma_wait3A_263] : memref<100000x64xf32, #tpu.memory_space<hbm>> -> memref<100000x64xf32, #tpu.memory_space<hbm>>
    tpu.wait_indirect_dma semaphore(%arg8 : memref<!tpu.dma_semaphore, #tpu.memory_space<semaphore_mem>>) src(%dma_wait3A_264 : memref<100000x64xf32, #tpu.memory_space<hbm>>) dst(%dma_wait3A_258 : memref<100x64xf32, #tpu.memory_space<vmem>>)
    %dma_wait3A_265 = arith.constant 6 : i32
    %dma_wait3A_266 = arith.constant 6 : i32
    %dma_wait3A_267 = arith.constant 0 : i32
    %dma_wait3A_268 = arith.constant 0 : i32
    %dma_wait3A_269 = tpu.memref_slice %arg6[%dma_wait3A_266, %dma_wait3A_267, %dma_wait3A_268] : memref<16x100x64xf32, #tpu.memory_space<vmem>> -> memref<1x100x64xf32, #tpu.memory_space<vmem>>
    %dma_wait3A_270 = tpu.memref_squeeze %dma_wait3A_269 : memref<1x100x64xf32, #tpu.memory_space<vmem>> -> memref<100x64xf32, #tpu.memory_space<vmem>>
    %dma_wait3A_271 = arith.constant 0 : i32
    %dma_wait3A_272 = tpu.memref_slice %arg5[%dma_wait3A_265, %dma_wait3A_271] : memref<16x100xi32, #tpu.memory_space<vmem>> -> memref<1x100xi32, #tpu.memory_space<vmem>>
    %dma_wait3A_273 = tpu.memref_squeeze %dma_wait3A_272 : memref<1x100xi32, #tpu.memory_space<vmem>> -> memref<100xi32, #tpu.memory_space<vmem>>
    %dma_wait3A_274 = arith.constant 0 : i32
    %dma_wait3A_275 = arith.constant 0 : i32
    %dma_wait3A_276 = tpu.memref_slice %arg3[%dma_wait3A_274, %dma_wait3A_275] : memref<100000x64xf32, #tpu.memory_space<hbm>> -> memref<100000x64xf32, #tpu.memory_space<hbm>>
    tpu.wait_indirect_dma semaphore(%arg8 : memref<!tpu.dma_semaphore, #tpu.memory_space<semaphore_mem>>) src(%dma_wait3A_276 : memref<100000x64xf32, #tpu.memory_space<hbm>>) dst(%dma_wait3A_270 : memref<100x64xf32, #tpu.memory_space<vmem>>)
    %dma_wait3A_277 = arith.constant 7 : i32
    %dma_wait3A_278 = arith.constant 7 : i32
    %dma_wait3A_279 = arith.constant 0 : i32
    %dma_wait3A_280 = arith.constant 0 : i32
    %dma_wait3A_281 = tpu.memref_slice %arg6[%dma_wait3A_278, %dma_wait3A_279, %dma_wait3A_280] : memref<16x100x64xf32, #tpu.memory_space<vmem>> -> memref<1x100x64xf32, #tpu.memory_space<vmem>>
    %dma_wait3A_282 = tpu.memref_squeeze %dma_wait3A_281 : memref<1x100x64xf32, #tpu.memory_space<vmem>> -> memref<100x64xf32, #tpu.memory_space<vmem>>
    %dma_wait3A_283 = arith.constant 0 : i32
    %dma_wait3A_284 = tpu.memref_slice %arg5[%dma_wait3A_277, %dma_wait3A_283] : memref<16x100xi32, #tpu.memory_space<vmem>> -> memref<1x100xi32, #tpu.memory_space<vmem>>
    %dma_wait3A_285 = tpu.memref_squeeze %dma_wait3A_284 : memref<1x100xi32, #tpu.memory_space<vmem>> -> memref<100xi32, #tpu.memory_space<vmem>>
    %dma_wait3A_286 = arith.constant 0 : i32
    %dma_wait3A_287 = arith.constant 0 : i32
    %dma_wait3A_288 = tpu.memref_slice %arg3[%dma_wait3A_286, %dma_wait3A_287] : memref<100000x64xf32, #tpu.memory_space<hbm>> -> memref<100000x64xf32, #tpu.memory_space<hbm>>
    tpu.wait_indirect_dma semaphore(%arg8 : memref<!tpu.dma_semaphore, #tpu.memory_space<semaphore_mem>>) src(%dma_wait3A_288 : memref<100000x64xf32, #tpu.memory_space<hbm>>) dst(%dma_wait3A_282 : memref<100x64xf32, #tpu.memory_space<vmem>>)
    %dma_wait3A_289 = arith.constant 8 : i32
    %dma_wait3A_290 = arith.constant 8 : i32
    %dma_wait3A_291 = arith.constant 0 : i32
    %dma_wait3A_292 = arith.constant 0 : i32
    %dma_wait3A_293 = tpu.memref_slice %arg6[%dma_wait3A_290, %dma_wait3A_291, %dma_wait3A_292] : memref<16x100x64xf32, #tpu.memory_space<vmem>> -> memref<1x100x64xf32, #tpu.memory_space<vmem>>
    %dma_wait3A_294 = tpu.memref_squeeze %dma_wait3A_293 : memref<1x100x64xf32, #tpu.memory_space<vmem>> -> memref<100x64xf32, #tpu.memory_space<vmem>>
    %dma_wait3A_295 = arith.constant 0 : i32
    %dma_wait3A_296 = tpu.memref_slice %arg5[%dma_wait3A_289, %dma_wait3A_295] : memref<16x100xi32, #tpu.memory_space<vmem>> -> memref<1x100xi32, #tpu.memory_space<vmem>>
    %dma_wait3A_297 = tpu.memref_squeeze %dma_wait3A_296 : memref<1x100xi32, #tpu.memory_space<vmem>> -> memref<100xi32, #tpu.memory_space<vmem>>
    %dma_wait3A_298 = arith.constant 0 : i32
    %dma_wait3A_299 = arith.constant 0 : i32
    %dma_wait3A_300 = tpu.memref_slice %arg3[%dma_wait3A_298, %dma_wait3A_299] : memref<100000x64xf32, #tpu.memory_space<hbm>> -> memref<100000x64xf32, #tpu.memory_space<hbm>>
    tpu.wait_indirect_dma semaphore(%arg8 : memref<!tpu.dma_semaphore, #tpu.memory_space<semaphore_mem>>) src(%dma_wait3A_300 : memref<100000x64xf32, #tpu.memory_space<hbm>>) dst(%dma_wait3A_294 : memref<100x64xf32, #tpu.memory_space<vmem>>)
    %dma_wait3A_301 = arith.constant 9 : i32
    %dma_wait3A_302 = arith.constant 9 : i32
    %dma_wait3A_303 = arith.constant 0 : i32
    %dma_wait3A_304 = arith.constant 0 : i32
    %dma_wait3A_305 = tpu.memref_slice %arg6[%dma_wait3A_302, %dma_wait3A_303, %dma_wait3A_304] : memref<16x100x64xf32, #tpu.memory_space<vmem>> -> memref<1x100x64xf32, #tpu.memory_space<vmem>>
    %dma_wait3A_306 = tpu.memref_squeeze %dma_wait3A_305 : memref<1x100x64xf32, #tpu.memory_space<vmem>> -> memref<100x64xf32, #tpu.memory_space<vmem>>
    %dma_wait3A_307 = arith.constant 0 : i32
    %dma_wait3A_308 = tpu.memref_slice %arg5[%dma_wait3A_301, %dma_wait3A_307] : memref<16x100xi32, #tpu.memory_space<vmem>> -> memref<1x100xi32, #tpu.memory_space<vmem>>
    %dma_wait3A_309 = tpu.memref_squeeze %dma_wait3A_308 : memref<1x100xi32, #tpu.memory_space<vmem>> -> memref<100xi32, #tpu.memory_space<vmem>>
    %dma_wait3A_310 = arith.constant 0 : i32
    %dma_wait3A_311 = arith.constant 0 : i32
    %dma_wait3A_312 = tpu.memref_slice %arg3[%dma_wait3A_310, %dma_wait3A_311] : memref<100000x64xf32, #tpu.memory_space<hbm>> -> memref<100000x64xf32, #tpu.memory_space<hbm>>
    tpu.wait_indirect_dma semaphore(%arg8 : memref<!tpu.dma_semaphore, #tpu.memory_space<semaphore_mem>>) src(%dma_wait3A_312 : memref<100000x64xf32, #tpu.memory_space<hbm>>) dst(%dma_wait3A_306 : memref<100x64xf32, #tpu.memory_space<vmem>>)
    %dma_wait3A_313 = arith.constant 10 : i32
    %dma_wait3A_314 = arith.constant 10 : i32
    %dma_wait3A_315 = arith.constant 0 : i32
    %dma_wait3A_316 = arith.constant 0 : i32
    %dma_wait3A_317 = tpu.memref_slice %arg6[%dma_wait3A_314, %dma_wait3A_315, %dma_wait3A_316] : memref<16x100x64xf32, #tpu.memory_space<vmem>> -> memref<1x100x64xf32, #tpu.memory_space<vmem>>
    %dma_wait3A_318 = tpu.memref_squeeze %dma_wait3A_317 : memref<1x100x64xf32, #tpu.memory_space<vmem>> -> memref<100x64xf32, #tpu.memory_space<vmem>>
    %dma_wait3A_319 = arith.constant 0 : i32
    %dma_wait3A_320 = tpu.memref_slice %arg5[%dma_wait3A_313, %dma_wait3A_319] : memref<16x100xi32, #tpu.memory_space<vmem>> -> memref<1x100xi32, #tpu.memory_space<vmem>>
    %dma_wait3A_321 = tpu.memref_squeeze %dma_wait3A_320 : memref<1x100xi32, #tpu.memory_space<vmem>> -> memref<100xi32, #tpu.memory_space<vmem>>
    %dma_wait3A_322 = arith.constant 0 : i32
    %dma_wait3A_323 = arith.constant 0 : i32
    %dma_wait3A_324 = tpu.memref_slice %arg3[%dma_wait3A_322, %dma_wait3A_323] : memref<100000x64xf32, #tpu.memory_space<hbm>> -> memref<100000x64xf32, #tpu.memory_space<hbm>>
    tpu.wait_indirect_dma semaphore(%arg8 : memref<!tpu.dma_semaphore, #tpu.memory_space<semaphore_mem>>) src(%dma_wait3A_324 : memref<100000x64xf32, #tpu.memory_space<hbm>>) dst(%dma_wait3A_318 : memref<100x64xf32, #tpu.memory_space<vmem>>)
    %dma_wait3A_325 = arith.constant 11 : i32
    %dma_wait3A_326 = arith.constant 11 : i32
    %dma_wait3A_327 = arith.constant 0 : i32
    %dma_wait3A_328 = arith.constant 0 : i32
    %dma_wait3A_329 = tpu.memref_slice %arg6[%dma_wait3A_326, %dma_wait3A_327, %dma_wait3A_328] : memref<16x100x64xf32, #tpu.memory_space<vmem>> -> memref<1x100x64xf32, #tpu.memory_space<vmem>>
    %dma_wait3A_330 = tpu.memref_squeeze %dma_wait3A_329 : memref<1x100x64xf32, #tpu.memory_space<vmem>> -> memref<100x64xf32, #tpu.memory_space<vmem>>
    %dma_wait3A_331 = arith.constant 0 : i32
    %dma_wait3A_332 = tpu.memref_slice %arg5[%dma_wait3A_325, %dma_wait3A_331] : memref<16x100xi32, #tpu.memory_space<vmem>> -> memref<1x100xi32, #tpu.memory_space<vmem>>
    %dma_wait3A_333 = tpu.memref_squeeze %dma_wait3A_332 : memref<1x100xi32, #tpu.memory_space<vmem>> -> memref<100xi32, #tpu.memory_space<vmem>>
    %dma_wait3A_334 = arith.constant 0 : i32
    %dma_wait3A_335 = arith.constant 0 : i32
    %dma_wait3A_336 = tpu.memref_slice %arg3[%dma_wait3A_334, %dma_wait3A_335] : memref<100000x64xf32, #tpu.memory_space<hbm>> -> memref<100000x64xf32, #tpu.memory_space<hbm>>
    tpu.wait_indirect_dma semaphore(%arg8 : memref<!tpu.dma_semaphore, #tpu.memory_space<semaphore_mem>>) src(%dma_wait3A_336 : memref<100000x64xf32, #tpu.memory_space<hbm>>) dst(%dma_wait3A_330 : memref<100x64xf32, #tpu.memory_space<vmem>>)
    %dma_wait3A_337 = arith.constant 12 : i32
    %dma_wait3A_338 = arith.constant 12 : i32
    %dma_wait3A_339 = arith.constant 0 : i32
    %dma_wait3A_340 = arith.constant 0 : i32
    %dma_wait3A_341 = tpu.memref_slice %arg6[%dma_wait3A_338, %dma_wait3A_339, %dma_wait3A_340] : memref<16x100x64xf32, #tpu.memory_space<vmem>> -> memref<1x100x64xf32, #tpu.memory_space<vmem>>
    %dma_wait3A_342 = tpu.memref_squeeze %dma_wait3A_341 : memref<1x100x64xf32, #tpu.memory_space<vmem>> -> memref<100x64xf32, #tpu.memory_space<vmem>>
    %dma_wait3A_343 = arith.constant 0 : i32
    %dma_wait3A_344 = tpu.memref_slice %arg5[%dma_wait3A_337, %dma_wait3A_343] : memref<16x100xi32, #tpu.memory_space<vmem>> -> memref<1x100xi32, #tpu.memory_space<vmem>>
    %dma_wait3A_345 = tpu.memref_squeeze %dma_wait3A_344 : memref<1x100xi32, #tpu.memory_space<vmem>> -> memref<100xi32, #tpu.memory_space<vmem>>
    %dma_wait3A_346 = arith.constant 0 : i32
    %dma_wait3A_347 = arith.constant 0 : i32
    %dma_wait3A_348 = tpu.memref_slice %arg3[%dma_wait3A_346, %dma_wait3A_347] : memref<100000x64xf32, #tpu.memory_space<hbm>> -> memref<100000x64xf32, #tpu.memory_space<hbm>>
    tpu.wait_indirect_dma semaphore(%arg8 : memref<!tpu.dma_semaphore, #tpu.memory_space<semaphore_mem>>) src(%dma_wait3A_348 : memref<100000x64xf32, #tpu.memory_space<hbm>>) dst(%dma_wait3A_342 : memref<100x64xf32, #tpu.memory_space<vmem>>)
    %dma_wait3A_349 = arith.constant 13 : i32
    %dma_wait3A_350 = arith.constant 13 : i32
    %dma_wait3A_351 = arith.constant 0 : i32
    %dma_wait3A_352 = arith.constant 0 : i32
    %dma_wait3A_353 = tpu.memref_slice %arg6[%dma_wait3A_350, %dma_wait3A_351, %dma_wait3A_352] : memref<16x100x64xf32, #tpu.memory_space<vmem>> -> memref<1x100x64xf32, #tpu.memory_space<vmem>>
    %dma_wait3A_354 = tpu.memref_squeeze %dma_wait3A_353 : memref<1x100x64xf32, #tpu.memory_space<vmem>> -> memref<100x64xf32, #tpu.memory_space<vmem>>
    %dma_wait3A_355 = arith.constant 0 : i32
    %dma_wait3A_356 = tpu.memref_slice %arg5[%dma_wait3A_349, %dma_wait3A_355] : memref<16x100xi32, #tpu.memory_space<vmem>> -> memref<1x100xi32, #tpu.memory_space<vmem>>
    %dma_wait3A_357 = tpu.memref_squeeze %dma_wait3A_356 : memref<1x100xi32, #tpu.memory_space<vmem>> -> memref<100xi32, #tpu.memory_space<vmem>>
    %dma_wait3A_358 = arith.constant 0 : i32
    %dma_wait3A_359 = arith.constant 0 : i32
    %dma_wait3A_360 = tpu.memref_slice %arg3[%dma_wait3A_358, %dma_wait3A_359] : memref<100000x64xf32, #tpu.memory_space<hbm>> -> memref<100000x64xf32, #tpu.memory_space<hbm>>
    tpu.wait_indirect_dma semaphore(%arg8 : memref<!tpu.dma_semaphore, #tpu.memory_space<semaphore_mem>>) src(%dma_wait3A_360 : memref<100000x64xf32, #tpu.memory_space<hbm>>) dst(%dma_wait3A_354 : memref<100x64xf32, #tpu.memory_space<vmem>>)
    %dma_wait3A_361 = arith.constant 14 : i32
    %dma_wait3A_362 = arith.constant 14 : i32
    %dma_wait3A_363 = arith.constant 0 : i32
    %dma_wait3A_364 = arith.constant 0 : i32
    %dma_wait3A_365 = tpu.memref_slice %arg6[%dma_wait3A_362, %dma_wait3A_363, %dma_wait3A_364] : memref<16x100x64xf32, #tpu.memory_space<vmem>> -> memref<1x100x64xf32, #tpu.memory_space<vmem>>
    %dma_wait3A_366 = tpu.memref_squeeze %dma_wait3A_365 : memref<1x100x64xf32, #tpu.memory_space<vmem>> -> memref<100x64xf32, #tpu.memory_space<vmem>>
    %dma_wait3A_367 = arith.constant 0 : i32
    %dma_wait3A_368 = tpu.memref_slice %arg5[%dma_wait3A_361, %dma_wait3A_367] : memref<16x100xi32, #tpu.memory_space<vmem>> -> memref<1x100xi32, #tpu.memory_space<vmem>>
    %dma_wait3A_369 = tpu.memref_squeeze %dma_wait3A_368 : memref<1x100xi32, #tpu.memory_space<vmem>> -> memref<100xi32, #tpu.memory_space<vmem>>
    %dma_wait3A_370 = arith.constant 0 : i32
    %dma_wait3A_371 = arith.constant 0 : i32
    %dma_wait3A_372 = tpu.memref_slice %arg3[%dma_wait3A_370, %dma_wait3A_371] : memref<100000x64xf32, #tpu.memory_space<hbm>> -> memref<100000x64xf32, #tpu.memory_space<hbm>>
    tpu.wait_indirect_dma semaphore(%arg8 : memref<!tpu.dma_semaphore, #tpu.memory_space<semaphore_mem>>) src(%dma_wait3A_372 : memref<100000x64xf32, #tpu.memory_space<hbm>>) dst(%dma_wait3A_366 : memref<100x64xf32, #tpu.memory_space<vmem>>)
    %dma_wait3A_373 = arith.constant 15 : i32
    %dma_wait3A_374 = arith.constant 15 : i32
    %dma_wait3A_375 = arith.constant 0 : i32
    %dma_wait3A_376 = arith.constant 0 : i32
    %dma_wait3A_377 = tpu.memref_slice %arg6[%dma_wait3A_374, %dma_wait3A_375, %dma_wait3A_376] : memref<16x100x64xf32, #tpu.memory_space<vmem>> -> memref<1x100x64xf32, #tpu.memory_space<vmem>>
    %dma_wait3A_378 = tpu.memref_squeeze %dma_wait3A_377 : memref<1x100x64xf32, #tpu.memory_space<vmem>> -> memref<100x64xf32, #tpu.memory_space<vmem>>
    %dma_wait3A_379 = arith.constant 0 : i32
    %dma_wait3A_380 = tpu.memref_slice %arg5[%dma_wait3A_373, %dma_wait3A_379] : memref<16x100xi32, #tpu.memory_space<vmem>> -> memref<1x100xi32, #tpu.memory_space<vmem>>
    %dma_wait3A_381 = tpu.memref_squeeze %dma_wait3A_380 : memref<1x100xi32, #tpu.memory_space<vmem>> -> memref<100xi32, #tpu.memory_space<vmem>>
    %dma_wait3A_382 = arith.constant 0 : i32
    %dma_wait3A_383 = arith.constant 0 : i32
    %dma_wait3A_384 = tpu.memref_slice %arg3[%dma_wait3A_382, %dma_wait3A_383] : memref<100000x64xf32, #tpu.memory_space<hbm>> -> memref<100000x64xf32, #tpu.memory_space<hbm>>
    tpu.wait_indirect_dma semaphore(%arg8 : memref<!tpu.dma_semaphore, #tpu.memory_space<semaphore_mem>>) src(%dma_wait3A_384 : memref<100000x64xf32, #tpu.memory_space<hbm>>) dst(%dma_wait3A_378 : memref<100x64xf32, #tpu.memory_space<vmem>>)
    %scan3A = arith.constant 0 : i32
    %scan3A_385 = arith.constant 0 : i32
    %scan3A_386 = arith.constant 16 : i32
    %scan3A_387 = arith.addi %scan3A_385, %scan3A_386 : i32
    %scan3A_388 = arith.constant 1 : i32
    scf.for %scan3A_392 = %scan3A_385 to %scan3A_387 step %scan3A_388  : i32 {
      %get3A = arith.constant 0 : i32
      %get3A_393 = arith.index_cast %scan3A_392 : i32 to index
      %get3A_394 = arith.index_cast %get3A : i32 to index
      %get3A_395 = arith.constant 0 : index
      %get3A_396 = tpu.vector_load %arg6[%get3A_393, %get3A_394, %get3A_395] {strides = array<i32>} : memref<16x100x64xf32, #tpu.memory_space<vmem>>, vector<1x1x16xf32>,
      %get3A_397 = vector.shape_cast %get3A_396 : vector<1x1x16xf32> to vector<16xf32>
      %get3A_398 = arith.constant 0 : i32
      %get3A_399 = arith.index_cast %scan3A_392 : i32 to index
      %get3A_400 = arith.index_cast %get3A_398 : i32 to index
      %get3A_401 = arith.constant 16 : index
      %get3A_402 = tpu.vector_load %arg6[%get3A_399, %get3A_400, %get3A_401] {strides = array<i32>} : memref<16x100x64xf32, #tpu.memory_space<vmem>>, vector<1x1x16xf32>,
      %get3A_403 = vector.shape_cast %get3A_402 : vector<1x1x16xf32> to vector<16xf32>
      %get3A_404 = arith.constant 0 : i32
      %get3A_405 = arith.index_cast %scan3A_392 : i32 to index
      %get3A_406 = arith.index_cast %get3A_404 : i32 to index
      %get3A_407 = arith.constant 32 : index
      %get3A_408 = tpu.vector_load %arg6[%get3A_405, %get3A_406, %get3A_407] {strides = array<i32>} : memref<16x100x64xf32, #tpu.memory_space<vmem>>, vector<1x1x16xf32>,
      %get3A_409 = vector.shape_cast %get3A_408 : vector<1x1x16xf32> to vector<16xf32>
      %get3A_410 = arith.constant 0 : i32
      %get3A_411 = arith.index_cast %scan3A_392 : i32 to index
      %get3A_412 = arith.index_cast %get3A_410 : i32 to index
      %get3A_413 = arith.constant 48 : index
      %get3A_414 = tpu.vector_load %arg6[%get3A_411, %get3A_412, %get3A_413] {strides = array<i32>} : memref<16x100x64xf32, #tpu.memory_space<vmem>>, vector<1x1x16xf32>,
      %get3A_415 = vector.shape_cast %get3A_414 : vector<1x1x16xf32> to vector<16xf32>
      %scan3A_416 = arith.constant 1 : i32
      %scan3A_417 = arith.constant 49 : i32
      %scan3A_418 = arith.addi %scan3A_416, %scan3A_417 : i32
      %scan3A_419 = arith.constant 1 : i32
      %scan3A_420:4 = scf.for %scan3A_523 = %scan3A_416 to %scan3A_418 step %scan3A_419 iter_args(%scan3A_524 = %get3A_397, %scan3A_525 = %get3A_403, %scan3A_526 = %get3A_409, %scan3A_527 = %get3A_415) -> (vector<16xf32>, vector<16xf32>, vector<16xf32>, vector<16xf32>)  : i32 {
        %add3A_528 = arith.constant 0 : i32
        %add3A_529 = arith.addi %add3A_528, %scan3A_523 : i32
        %get3A_530 = arith.index_cast %scan3A_392 : i32 to index
        %get3A_531 = arith.index_cast %add3A_529 : i32 to index
        %get3A_532 = arith.constant 0 : index
        %get3A_533 = tpu.vector_load %arg6[%get3A_530, %get3A_531, %get3A_532] {strides = array<i32>} : memref<16x100x64xf32, #tpu.memory_space<vmem>>, vector<1x1x16xf32>,
        %get3A_534 = vector.shape_cast %get3A_533 : vector<1x1x16xf32> to vector<16xf32>
        %add3A_535 = arith.addf %scan3A_524, %get3A_534 : vector<16xf32>
        %add3A_536 = arith.constant 0 : i32
        %add3A_537 = arith.addi %add3A_536, %scan3A_523 : i32
        %get3A_538 = arith.index_cast %scan3A_392 : i32 to index
        %get3A_539 = arith.index_cast %add3A_537 : i32 to index
        %get3A_540 = arith.constant 16 : index
        %get3A_541 = tpu.vector_load %arg6[%get3A_538, %get3A_539, %get3A_540] {strides = array<i32>} : memref<16x100x64xf32, #tpu.memory_space<vmem>>, vector<1x1x16xf32>,
        %get3A_542 = vector.shape_cast %get3A_541 : vector<1x1x16xf32> to vector<16xf32>
        %add3A_543 = arith.addf %scan3A_525, %get3A_542 : vector<16xf32>
        %add3A_544 = arith.constant 0 : i32
        %add3A_545 = arith.addi %add3A_544, %scan3A_523 : i32
        %get3A_546 = arith.index_cast %scan3A_392 : i32 to index
        %get3A_547 = arith.index_cast %add3A_545 : i32 to index
        %get3A_548 = arith.constant 32 : index
        %get3A_549 = tpu.vector_load %arg6[%get3A_546, %get3A_547, %get3A_548] {strides = array<i32>} : memref<16x100x64xf32, #tpu.memory_space<vmem>>, vector<1x1x16xf32>,
        %get3A_550 = vector.shape_cast %get3A_549 : vector<1x1x16xf32> to vector<16xf32>
        %add3A_551 = arith.addf %scan3A_526, %get3A_550 : vector<16xf32>
        %add3A_552 = arith.constant 0 : i32
        %add3A_553 = arith.addi %add3A_552, %scan3A_523 : i32
        %get3A_554 = arith.index_cast %scan3A_392 : i32 to index
        %get3A_555 = arith.index_cast %add3A_553 : i32 to index
        %get3A_556 = arith.constant 48 : index
        %get3A_557 = tpu.vector_load %arg6[%get3A_554, %get3A_555, %get3A_556] {strides = array<i32>} : memref<16x100x64xf32, #tpu.memory_space<vmem>>, vector<1x1x16xf32>,
        %get3A_558 = vector.shape_cast %get3A_557 : vector<1x1x16xf32> to vector<16xf32>
        %add3A_559 = arith.addf %scan3A_527, %get3A_558 : vector<16xf32>
        scf.yield %add3A_535, %add3A_543, %add3A_551, %add3A_559 : vector<16xf32>, vector<16xf32>, vector<16xf32>, vector<16xf32>
      }
      %scan3A_421 = arith.constant 49 : i32
      %mul3A_422 = arith.constant 2 : i32
      %mul3A_423 = arith.muli %scan3A_392, %mul3A_422 : i32
      %add3A_424 = arith.constant 0 : i32
      %add3A_425 = arith.addi %mul3A_423, %add3A_424 : i32
      %swap3A = arith.index_cast %add3A_425 : i32 to index
      %swap3A_426 = arith.constant 0 : index
      %swap3A_427 = tpu.vector_load %arg7[%swap3A, %swap3A_426] {strides = array<i32>} : memref<32x64xf32, #tpu.memory_space<vmem>>, vector<1x16xf32>,
      %swap3A_428 = vector.shape_cast %swap3A_427 : vector<1x16xf32> to vector<16xf32>
      %swap3A_429 = vector.shape_cast %scan3A_420#0 : vector<16xf32> to vector<1x16xf32>
      tpu.vector_store %arg7[%swap3A, %swap3A_426], %swap3A_429 {strides = array<i32>} : memref<32x64xf32, #tpu.memory_space<vmem>>, vector<1x16xf32>,
      %mul3A_430 = arith.constant 2 : i32
      %mul3A_431 = arith.muli %scan3A_392, %mul3A_430 : i32
      %add3A_432 = arith.constant 0 : i32
      %add3A_433 = arith.addi %mul3A_431, %add3A_432 : i32
      %swap3A_434 = arith.index_cast %add3A_433 : i32 to index
      %swap3A_435 = arith.constant 16 : index
      %swap3A_436 = tpu.vector_load %arg7[%swap3A_434, %swap3A_435] {strides = array<i32>} : memref<32x64xf32, #tpu.memory_space<vmem>>, vector<1x16xf32>,
      %swap3A_437 = vector.shape_cast %swap3A_436 : vector<1x16xf32> to vector<16xf32>
      %swap3A_438 = vector.shape_cast %scan3A_420#1 : vector<16xf32> to vector<1x16xf32>
      tpu.vector_store %arg7[%swap3A_434, %swap3A_435], %swap3A_438 {strides = array<i32>} : memref<32x64xf32, #tpu.memory_space<vmem>>, vector<1x16xf32>,
      %mul3A_439 = arith.constant 2 : i32
      %mul3A_440 = arith.muli %scan3A_392, %mul3A_439 : i32
      %add3A_441 = arith.constant 0 : i32
      %add3A_442 = arith.addi %mul3A_440, %add3A_441 : i32
      %swap3A_443 = arith.index_cast %add3A_442 : i32 to index
      %swap3A_444 = arith.constant 32 : index
      %swap3A_445 = tpu.vector_load %arg7[%swap3A_443, %swap3A_444] {strides = array<i32>} : memref<32x64xf32, #tpu.memory_space<vmem>>, vector<1x16xf32>,
      %swap3A_446 = vector.shape_cast %swap3A_445 : vector<1x16xf32> to vector<16xf32>
      %swap3A_447 = vector.shape_cast %scan3A_420#2 : vector<16xf32> to vector<1x16xf32>
      tpu.vector_store %arg7[%swap3A_443, %swap3A_444], %swap3A_447 {strides = array<i32>} : memref<32x64xf32, #tpu.memory_space<vmem>>, vector<1x16xf32>,
      %mul3A_448 = arith.constant 2 : i32
      %mul3A_449 = arith.muli %scan3A_392, %mul3A_448 : i32
      %add3A_450 = arith.constant 0 : i32
      %add3A_451 = arith.addi %mul3A_449, %add3A_450 : i32
      %swap3A_452 = arith.index_cast %add3A_451 : i32 to index
      %swap3A_453 = arith.constant 48 : index
      %swap3A_454 = tpu.vector_load %arg7[%swap3A_452, %swap3A_453] {strides = array<i32>} : memref<32x64xf32, #tpu.memory_space<vmem>>, vector<1x16xf32>,
      %swap3A_455 = vector.shape_cast %swap3A_454 : vector<1x16xf32> to vector<16xf32>
      %swap3A_456 = vector.shape_cast %scan3A_420#3 : vector<16xf32> to vector<1x16xf32>
      tpu.vector_store %arg7[%swap3A_452, %swap3A_453], %swap3A_456 {strides = array<i32>} : memref<32x64xf32, #tpu.memory_space<vmem>>, vector<1x16xf32>,
      %get3A_457 = arith.constant 50 : i32
      %get3A_458 = arith.index_cast %scan3A_392 : i32 to index
      %get3A_459 = arith.index_cast %get3A_457 : i32 to index
      %get3A_460 = arith.constant 0 : index
      %get3A_461 = tpu.vector_load %arg6[%get3A_458, %get3A_459, %get3A_460] {strides = array<i32>} : memref<16x100x64xf32, #tpu.memory_space<vmem>>, vector<1x1x16xf32>,
      %get3A_462 = vector.shape_cast %get3A_461 : vector<1x1x16xf32> to vector<16xf32>
      %get3A_463 = arith.constant 50 : i32
      %get3A_464 = arith.index_cast %scan3A_392 : i32 to index
      %get3A_465 = arith.index_cast %get3A_463 : i32 to index
      %get3A_466 = arith.constant 16 : index
      %get3A_467 = tpu.vector_load %arg6[%get3A_464, %get3A_465, %get3A_466] {strides = array<i32>} : memref<16x100x64xf32, #tpu.memory_space<vmem>>, vector<1x1x16xf32>,
      %get3A_468 = vector.shape_cast %get3A_467 : vector<1x1x16xf32> to vector<16xf32>
      %get3A_469 = arith.constant 50 : i32
      %get3A_470 = arith.index_cast %scan3A_392 : i32 to index
      %get3A_471 = arith.index_cast %get3A_469 : i32 to index
      %get3A_472 = arith.constant 32 : index
      %get3A_473 = tpu.vector_load %arg6[%get3A_470, %get3A_471, %get3A_472] {strides = array<i32>} : memref<16x100x64xf32, #tpu.memory_space<vmem>>, vector<1x1x16xf32>,
      %get3A_474 = vector.shape_cast %get3A_473 : vector<1x1x16xf32> to vector<16xf32>
      %get3A_475 = arith.constant 50 : i32
      %get3A_476 = arith.index_cast %scan3A_392 : i32 to index
      %get3A_477 = arith.index_cast %get3A_475 : i32 to index
      %get3A_478 = arith.constant 48 : index
      %get3A_479 = tpu.vector_load %arg6[%get3A_476, %get3A_477, %get3A_478] {strides = array<i32>} : memref<16x100x64xf32, #tpu.memory_space<vmem>>, vector<1x1x16xf32>,
      %get3A_480 = vector.shape_cast %get3A_479 : vector<1x1x16xf32> to vector<16xf32>
      %scan3A_481 = arith.constant 1 : i32
      %scan3A_482 = arith.constant 49 : i32
      %scan3A_483 = arith.addi %scan3A_481, %scan3A_482 : i32
      %scan3A_484 = arith.constant 1 : i32
      %scan3A_485:4 = scf.for %scan3A_523 = %scan3A_481 to %scan3A_483 step %scan3A_484 iter_args(%scan3A_524 = %get3A_462, %scan3A_525 = %get3A_468, %scan3A_526 = %get3A_474, %scan3A_527 = %get3A_480) -> (vector<16xf32>, vector<16xf32>, vector<16xf32>, vector<16xf32>)  : i32 {
        %add3A_528 = arith.constant 50 : i32
        %add3A_529 = arith.addi %add3A_528, %scan3A_523 : i32
        %get3A_530 = arith.index_cast %scan3A_392 : i32 to index
        %get3A_531 = arith.index_cast %add3A_529 : i32 to index
        %get3A_532 = arith.constant 0 : index
        %get3A_533 = tpu.vector_load %arg6[%get3A_530, %get3A_531, %get3A_532] {strides = array<i32>} : memref<16x100x64xf32, #tpu.memory_space<vmem>>, vector<1x1x16xf32>,
        %get3A_534 = vector.shape_cast %get3A_533 : vector<1x1x16xf32> to vector<16xf32>
        %add3A_535 = arith.addf %scan3A_524, %get3A_534 : vector<16xf32>
        %add3A_536 = arith.constant 50 : i32
        %add3A_537 = arith.addi %add3A_536, %scan3A_523 : i32
        %get3A_538 = arith.index_cast %scan3A_392 : i32 to index
        %get3A_539 = arith.index_cast %add3A_537 : i32 to index
        %get3A_540 = arith.constant 16 : index
        %get3A_541 = tpu.vector_load %arg6[%get3A_538, %get3A_539, %get3A_540] {strides = array<i32>} : memref<16x100x64xf32, #tpu.memory_space<vmem>>, vector<1x1x16xf32>,
        %get3A_542 = vector.shape_cast %get3A_541 : vector<1x1x16xf32> to vector<16xf32>
        %add3A_543 = arith.addf %scan3A_525, %get3A_542 : vector<16xf32>
        %add3A_544 = arith.constant 50 : i32
        %add3A_545 = arith.addi %add3A_544, %scan3A_523 : i32
        %get3A_546 = arith.index_cast %scan3A_392 : i32 to index
        %get3A_547 = arith.index_cast %add3A_545 : i32 to index
        %get3A_548 = arith.constant 32 : index
        %get3A_549 = tpu.vector_load %arg6[%get3A_546, %get3A_547, %get3A_548] {strides = array<i32>} : memref<16x100x64xf32, #tpu.memory_space<vmem>>, vector<1x1x16xf32>,
        %get3A_550 = vector.shape_cast %get3A_549 : vector<1x1x16xf32> to vector<16xf32>
        %add3A_551 = arith.addf %scan3A_526, %get3A_550 : vector<16xf32>
        %add3A_552 = arith.constant 50 : i32
        %add3A_553 = arith.addi %add3A_552, %scan3A_523 : i32
        %get3A_554 = arith.index_cast %scan3A_392 : i32 to index
        %get3A_555 = arith.index_cast %add3A_553 : i32 to index
        %get3A_556 = arith.constant 48 : index
        %get3A_557 = tpu.vector_load %arg6[%get3A_554, %get3A_555, %get3A_556] {strides = array<i32>} : memref<16x100x64xf32, #tpu.memory_space<vmem>>, vector<1x1x16xf32>,
        %get3A_558 = vector.shape_cast %get3A_557 : vector<1x1x16xf32> to vector<16xf32>
        %add3A_559 = arith.addf %scan3A_527, %get3A_558 : vector<16xf32>
        scf.yield %add3A_535, %add3A_543, %add3A_551, %add3A_559 : vector<16xf32>, vector<16xf32>, vector<16xf32>, vector<16xf32>
      }
      %scan3A_486 = arith.constant 49 : i32
      %mul3A_487 = arith.constant 2 : i32
      %mul3A_488 = arith.muli %scan3A_392, %mul3A_487 : i32
      %add3A_489 = arith.constant 1 : i32
      %add3A_490 = arith.addi %mul3A_488, %add3A_489 : i32
      %swap3A_491 = arith.index_cast %add3A_490 : i32 to index
      %swap3A_492 = arith.constant 0 : index
      %swap3A_493 = tpu.vector_load %arg7[%swap3A_491, %swap3A_492] {strides = array<i32>} : memref<32x64xf32, #tpu.memory_space<vmem>>, vector<1x16xf32>,
      %swap3A_494 = vector.shape_cast %swap3A_493 : vector<1x16xf32> to vector<16xf32>
      %swap3A_495 = vector.shape_cast %scan3A_485#0 : vector<16xf32> to vector<1x16xf32>
      tpu.vector_store %arg7[%swap3A_491, %swap3A_492], %swap3A_495 {strides = array<i32>} : memref<32x64xf32, #tpu.memory_space<vmem>>, vector<1x16xf32>,
      %mul3A_496 = arith.constant 2 : i32
      %mul3A_497 = arith.muli %scan3A_392, %mul3A_496 : i32
      %add3A_498 = arith.constant 1 : i32
      %add3A_499 = arith.addi %mul3A_497, %add3A_498 : i32
      %swap3A_500 = arith.index_cast %add3A_499 : i32 to index
      %swap3A_501 = arith.constant 16 : index
      %swap3A_502 = tpu.vector_load %arg7[%swap3A_500, %swap3A_501] {strides = array<i32>} : memref<32x64xf32, #tpu.memory_space<vmem>>, vector<1x16xf32>,
      %swap3A_503 = vector.shape_cast %swap3A_502 : vector<1x16xf32> to vector<16xf32>
      %swap3A_504 = vector.shape_cast %scan3A_485#1 : vector<16xf32> to vector<1x16xf32>
      tpu.vector_store %arg7[%swap3A_500, %swap3A_501], %swap3A_504 {strides = array<i32>} : memref<32x64xf32, #tpu.memory_space<vmem>>, vector<1x16xf32>,
      %mul3A_505 = arith.constant 2 : i32
      %mul3A_506 = arith.muli %scan3A_392, %mul3A_505 : i32
      %add3A_507 = arith.constant 1 : i32
      %add3A_508 = arith.addi %mul3A_506, %add3A_507 : i32
      %swap3A_509 = arith.index_cast %add3A_508 : i32 to index
      %swap3A_510 = arith.constant 32 : index
      %swap3A_511 = tpu.vector_load %arg7[%swap3A_509, %swap3A_510] {strides = array<i32>} : memref<32x64xf32, #tpu.memory_space<vmem>>, vector<1x16xf32>,
      %swap3A_512 = vector.shape_cast %swap3A_511 : vector<1x16xf32> to vector<16xf32>
      %swap3A_513 = vector.shape_cast %scan3A_485#2 : vector<16xf32> to vector<1x16xf32>
      tpu.vector_store %arg7[%swap3A_509, %swap3A_510], %swap3A_513 {strides = array<i32>} : memref<32x64xf32, #tpu.memory_space<vmem>>, vector<1x16xf32>,
      %mul3A_514 = arith.constant 2 : i32
      %mul3A_515 = arith.muli %scan3A_392, %mul3A_514 : i32
      %add3A_516 = arith.constant 1 : i32
      %add3A_517 = arith.addi %mul3A_515, %add3A_516 : i32
      %swap3A_518 = arith.index_cast %add3A_517 : i32 to index
      %swap3A_519 = arith.constant 48 : index
      %swap3A_520 = tpu.vector_load %arg7[%swap3A_518, %swap3A_519] {strides = array<i32>} : memref<32x64xf32, #tpu.memory_space<vmem>>, vector<1x16xf32>,
      %swap3A_521 = vector.shape_cast %swap3A_520 : vector<1x16xf32> to vector<16xf32>
      %swap3A_522 = vector.shape_cast %scan3A_485#3 : vector<16xf32> to vector<1x16xf32>
      tpu.vector_store %arg7[%swap3A_518, %swap3A_519], %swap3A_522 {strides = array<i32>} : memref<32x64xf32, #tpu.memory_space<vmem>>, vector<1x16xf32>,
    }
    %scan3A_389 = arith.constant 16 : i32
    %mul3A_390 = arith.constant 32 : i32
    %mul3A_391 = arith.muli %add3A, %mul3A_390 : i32
    "tpu.region"() ({
      %run_scoped3A = tpu.sem_alloc : memref<!tpu.dma_semaphore, #tpu.memory_space<semaphore_mem>>
      %dma_start3A_392 = arith.constant 0 : i32
      %dma_start3A_393 = tpu.memref_slice %arg4[%mul3A_391, %dma_start3A_392] : memref<1024x64xf32, #tpu.memory_space<hbm>> -> memref<32x64xf32, #tpu.memory_space<hbm>>
      %dma_start3A_394 = arith.constant 0 : i32
      %dma_start3A_395 = tpu.memref_slice %arg4[%mul3A_391, %dma_start3A_394] : memref<1024x64xf32, #tpu.memory_space<hbm>> -> memref<32x64xf32, #tpu.memory_space<hbm>>
      tpu.enqueue_dma source(%arg7 : memref<32x64xf32, #tpu.memory_space<vmem>>) target(%dma_start3A_395 : memref<32x64xf32, #tpu.memory_space<hbm>>) target_semaphore(%run_scoped3A : memref<!tpu.dma_semaphore, #tpu.memory_space<semaphore_mem>>)
      %dma_wait3A_396 = arith.constant 0 : i32
      %dma_wait3A_397 = tpu.memref_slice %arg4[%mul3A_391, %dma_wait3A_396] : memref<1024x64xf32, #tpu.memory_space<hbm>> -> memref<32x64xf32, #tpu.memory_space<hbm>>
      %dma_wait3A_398 = arith.constant 0 : i32
      %dma_wait3A_399 = tpu.memref_slice %arg4[%mul3A_391, %dma_wait3A_398] : memref<1024x64xf32, #tpu.memory_space<hbm>> -> memref<32x64xf32, #tpu.memory_space<hbm>>
      tpu.wait_dma2 semaphore(%run_scoped3A : memref<!tpu.dma_semaphore, #tpu.memory_space<semaphore_mem>>) src(%arg7 : memref<32x64xf32, #tpu.memory_space<vmem>>) dst(%dma_wait3A_399 : memref<32x64xf32, #tpu.memory_space<hbm>>)
      tpu.yield
    }) : () -> ()
    return
  }
}

module attributes {stable_mosaic.version = 14 : i64} {
  func.func @body(%arg0: i32, %arg1: memref<16x64xbf16, #tpu.memory_space<vmem>>, %arg2: memref<64x100096xbf16, #tpu.memory_space<vmem>>, %arg3: memref<1x100096xf32, #tpu.memory_space<vmem>>, %arg4: memref<16x100096xf32, #tpu.memory_space<vmem>>) attributes {dimension_semantics = [#tpu.dimension_semantics<arbitrary>], iteration_bounds = array<i64: 64>, scalar_prefetch = 0 : i64, scratch_operands = 0 : i64, tpu.core_type = #tpu.core_type<tc>, window_params = [{transform_indices = @transform_0, window_bounds = array<i64: 16, 64>}, {pipeline_mode = #tpu.pipeline_mode<synchronous>, transform_indices = @transform_1, window_bounds = array<i64: 64, 100096>}, {pipeline_mode = #tpu.pipeline_mode<synchronous>, transform_indices = @transform_2, window_bounds = array<i64: 1, 100096>}, {transform_indices = @transform_3, window_bounds = array<i64: 16, 100096>}]} {
    %get3A = arith.constant 0 : index
    %get3A_0 = arith.constant 0 : index
    %get3A_1 = vector.load %arg1[%get3A, %get3A_0] : memref<16x64xbf16, #tpu.memory_space<vmem>>, vector<16x64xbf16>
    %get3A_2 = arith.constant 0 : index
    %get3A_3 = arith.constant 0 : index
    %get3A_4 = vector.load %arg2[%get3A_2, %get3A_3] : memref<64x100096xbf16, #tpu.memory_space<vmem>>, vector<64x100096xbf16>
    %dot_general3A = arith.constant dense<0.000000e+00> : vector<16x100096xf32>
    %dot_general3A_5 = tpu.matmul %get3A_1, %get3A_4, %dot_general3A {dimension_numbers = #tpu.dot_dimension_numbers<[1], [0], [0], [1], [0, 0, 1, 1], [], []>, transpose_lhs_hint = false} : vector<16x64xbf16>, vector<64x100096xbf16>, vector<16x100096xf32> -> vector<16x100096xf32>
    %get3A_6 = arith.constant 0 : index
    %get3A_7 = arith.constant 0 : index
    %get3A_8 = vector.load %arg3[%get3A_6, %get3A_7] : memref<1x100096xf32, #tpu.memory_space<vmem>>, vector<1x100096xf32>
    %add3A = vector.broadcast %get3A_8 : vector<1x100096xf32> to vector<16x100096xf32>
    %add3A_9 = arith.addf %dot_general3A_5, %add3A : vector<16x100096xf32>
    %exp3A = math.exp %add3A_9 : vector<16x100096xf32>
    %reduce_sum3A = arith.constant dense<0.000000e+00> : vector<16xf32>
    %reduce_sum3A_10 = vector.multi_reduction <add>, %exp3A, %reduce_sum3A [1] : vector<16x100096xf32> to vector<16xf32>
    %broadcast_in_dim3A = vector.shape_cast %reduce_sum3A_10 : vector<16xf32> to vector<16x1xf32>
    %log3A = math.log %broadcast_in_dim3A : vector<16x1xf32>
    %sub3A = vector.broadcast %log3A : vector<16x1xf32> to vector<16x100096xf32>
    %sub3A_11 = arith.subf %add3A_9, %sub3A : vector<16x100096xf32>
    %swap3A = arith.constant 0 : index
    %swap3A_12 = arith.constant 0 : index
    %swap3A_13 = vector.load %arg4[%swap3A, %swap3A_12] : memref<16x100096xf32, #tpu.memory_space<vmem>>, vector<16x100096xf32>
    tpu.vector_store %arg4[%swap3A, %swap3A_12], %sub3A_11 {strides = array<i32>} : memref<16x100096xf32, #tpu.memory_space<vmem>>, vector<16x100096xf32>,
    return
  }
  func.func @transform_0(%arg0: i32) -> (i32, i32) {
    %c0_i32 = arith.constant 0 : i32
    %c0_i32_0 = arith.constant 0 : i32
    return %arg0, %c0_i32 : i32, i32
  }
  func.func @transform_1(%arg0: i32) -> (i32, i32) {
    %c0_i32 = arith.constant 0 : i32
    %c0_i32_0 = arith.constant 0 : i32
    %c0_i32_1 = arith.constant 0 : i32
    return %c0_i32, %c0_i32_0 : i32, i32
  }
  func.func @transform_2(%arg0: i32) -> (i32, i32) {
    %c0_i32 = arith.constant 0 : i32
    %c0_i32_0 = arith.constant 0 : i32
    %c0_i32_1 = arith.constant 0 : i32
    return %c0_i32, %c0_i32_0 : i32, i32
  }
  func.func @transform_3(%arg0: i32) -> (i32, i32) {
    %c0_i32 = arith.constant 0 : i32
    %c0_i32_0 = arith.constant 0 : i32
    return %arg0, %c0_i32 : i32, i32
  }
}

</mosaic_0001>

<sc_bundles>
// kernel: kernel.4.cloned.1.call-start
scs
__scs_entry_jumppad:
0x0: {  	(pc) =	sbr.rel $0x88, $3  }
0x1: {  	(tag) =	ssettag $0x0;
	lr =	simm.s32 $0x1  }
0x2: {  	[smem:$0x3F9D] =	sst lr;
	_ =	strace $0xD0000000  }
0x3: {  	_ = 	snop  }
0x4: {  	_ = 	snop  }
0x5: {  	_ = 	snop  }
0x6: {  	_ = 	snop  }
0x7: {  	_ = 	snop  }
__scs_overlays_trampoline_lowered:
0x8: {  	[smem:$0x3FAC] =	sst s0  }
0x9: {  	[smem:$0x3FAD] =	sst s1  }
0xa: {  	[smem:$0x3FAE] =	sst s2  }
0xb: {  	[smem:$0x3FAF] =	sst s3  }
0xc: {  	[smem:$0x3FB0] =	sst s4  }
0xd: {  	[smem:$0x3FB1] =	sst s5  }
0xe: {  	[smem:$0x3FB2] =	sst s6  }
0xf: {  	[smem:$0x3FB3] =	sst s7  }
0x10: {  	[smem:$0x3FB4] =	sst s8  }
0x11: {  	[smem:$0x3FB5] =	sst s9;
	s0 =	simm.s32 @!p0 $0x0  }
0x12: {  	s1 =	sld [smem:$0x3F9B];
	s0 =	simm.s32 @p0 $0x1  }
0x13: {  	[smem:$0x3FB6] =	sst s0;
	s0 =	simm.s32 @!p1 $0x0  }
0x14: {  	s2 =	sld [smem:$0x3F9A];
	s0 =	simm.s32 @p1 $0x1  }
0x15: {  	[smem:$0x3FB7] =	sst s0;
	s0 =	simm.s32 @!p2 $0x0  }
0x16: {  	s3 =	sld [smem:$0x3FDB];
	s0 =	simm.s32 @p2 $0x1  }
0x17: {  	s4 =	simm.s32 $0x1BF5;
	[smem:$0x3FB9] =	sst s0  }
0x18: {  	s0 =	sld [smem:$0x3F9C];
	_ =	swait.ge [sflag:s4], $0x0  }
0x19: {  	s7 =	sld [smem:$0x3F9D]  }
0x1a: {  	s8 =	sadd.s32 $0xFFFFE003, lr  }
0x1b: {  	s9 =	sadd.s32 $0xFFFFFEF7, lr;
	s5 =	simm.s32 $0xFFFFFFFF;
	p2 =	slt.u32 s8, $0xFFFFF086  }
0x1c: {  	p1 =	slt.u32 s9, $0xF7A;
	s5 =	simm.s32 @!p2 $0x0  }
0x1d: {  	s5 =	simm.s32 @p1 $0x1;
	p0 =	seq.s32 s7, s2  }
0x1e: {  	s7 =	smul.u32 @!p0 $0xF7A, s2;
	p2 =	seq.s32 @!p0 s5, $0x0  }
0x1f: {  	s9 =	smul.u32 $0xF7A, s1;
	s8 =	simm.s32 @!p0 $0x1BF5;
	p2 =	por !p2, p0  }
0x20: {  	[sflag:s8] =	ssyncset.s32 @!p0 $0xFFFFF086;
	s6 =	sadd.s32 @!p0 s3, s7;
	s7 =	simm.s32 @!p0 $0x108  }
0x21: {  	s3 =	sadd.s32 s3, s9;
	s6 =	sadd.s32 @!p0 $0x88, s6;
	s7 =	simm.s32 @p2 $0x1082  }
0x22: {  	[simem:s7], [sflag:s8] =	dma.local @!p0 [hbm:s6], $0xF7A  }
0x23: {  	s9 =	sor.u32 $0xD0000000, s2;
	s6 =	simm.s32 $0x108;
	_ =	swait.ge @!p0 [sflag:s8], $0x0  }
0x24: {  	s3 =	sadd.s32 $0x88, s3;
	s6 =	simm.s32 @!p1 $0x1082;
	[sflag:s4] =	ssyncset.s32 $0xFFFFF086  }
0x25: {  	[simem:s6], [sflag:s4] =	dma.local [hbm:s3], $0xF7A  }
0x26: {  	[smem:$0x3F9D] =	sst s1;
	(tag) =	ssettag s2;
	_ =	strace s9  }
0x27: {  	s1 =	sld [smem:$0x3FAD]  }
0x28: {  	s2 =	sld [smem:$0x3FAE]  }
0x29: {  	s4 =	sld [smem:$0x3FB0]  }
0x2a: {  	p0 =	seq.s32 s5, $0x0;
	s5 =	sld [smem:$0x3FB1]  }
0x2b: {  	s6 =	sld [smem:$0x3FB2]  }
0x2c: {  	s7 =	sld [smem:$0x3FB3]  }
0x2d: {  	s3 =	simm.s32 $0x108;
	s8 =	sld [smem:$0x3FB4]  }
0x2e: {  	s3 =	simm.s32 @!p0 $0x1082;
	s9 =	sld [smem:$0x3FB5]  }
0x2f: {  	lr =	sadd.s32 s0, s3;
	s0 =	sld [smem:$0x3FAC]  }
0x30: {  	s3 =	sld [smem:$0x3FAF]  }
0x31: {  	[smem:$0x3FB8] =	sst s10  }
0x32: {  	s10 =	sld [smem:$0x3FB6];
	_ =	sdelay $0x3  }
0x33: {  	p0 =	seq.s32 s10, $0x1;
	s10 =	sld [smem:$0x3FB8];
	_ =	sdelay $0x3  }
0x34: {  	[smem:$0x3FB8] =	sst s10  }
0x35: {  	s10 =	sld [smem:$0x3FB7];
	_ =	sdelay $0x3  }
0x36: {  	p1 =	seq.s32 s10, $0x1;
	s10 =	sld [smem:$0x3FB8];
	_ =	sdelay $0x3  }
0x37: {  	[smem:$0x3FB8] =	sst s10  }
0x38: {  	s10 =	sld [smem:$0x3FB9]  }
0x39: {  	_ = 	snop;
	(pc) =	sbr.ind lr, $3  }
0x3a: {  	_ = 	snop  }
0x3b: {  	_ = 	snop  }
0x3c: {  	p2 =	seq.s32 s10, $0x1;
	s10 =	sld [smem:$0x3FB8]  }
0x3d: {  	_ =	shalt  }
0x3e: {  	_ =	shalt  }
0x3f: {  	_ =	shalt  }
0x40: {  	_ =	shalt  }
0x41: {  	_ =	shalt  }
0x42: {  	_ =	shalt  }
0x43: {  	_ =	shalt  }
0x44: {  	_ =	shalt  }
0x45: {  	_ =	shalt  }
0x46: {  	_ =	shalt  }
0x47: {  	_ =	shalt  }
0x48: {  	_ =	shalt  }
0x49: {  	_ =	shalt  }
0x4a: {  	_ =	shalt  }
0x4b: {  	_ =	shalt  }
0x4c: {  	_ =	shalt  }
0x4d: {  	_ =	shalt  }
0x4e: {  	_ =	shalt  }
0x4f: {  	_ =	shalt  }
0x50: {  	_ =	shalt  }
0x51: {  	_ =	shalt  }
0x52: {  	_ =	shalt  }
0x53: {  	_ =	shalt  }
0x54: {  	_ =	shalt  }
0x55: {  	_ =	shalt  }
0x56: {  	_ =	shalt  }
0x57: {  	_ =	shalt  }
0x58: {  	_ =	shalt  }
0x59: {  	_ =	shalt  }
0x5a: {  	_ =	shalt  }
0x5b: {  	_ =	shalt  }
0x5c: {  	_ =	shalt  }
0x5d: {  	_ =	shalt  }
0x5e: {  	_ =	shalt  }
0x5f: {  	_ =	shalt  }
0x60: {  	_ =	shalt  }
0x61: {  	_ =	shalt  }
0x62: {  	_ =	shalt  }
0x63: {  	_ =	shalt  }
0x64: {  	_ =	shalt  }
0x65: {  	_ =	shalt  }
0x66: {  	_ =	shalt  }
0x67: {  	_ =	shalt  }
0x68: {  	_ =	shalt  }
0x69: {  	_ =	shalt  }
0x6a: {  	_ =	shalt  }
0x6b: {  	_ =	shalt  }
0x6c: {  	_ =	shalt  }
0x6d: {  	_ =	shalt  }
0x6e: {  	_ =	shalt  }
0x6f: {  	_ =	shalt  }
0x70: {  	_ =	shalt  }
0x71: {  	_ =	shalt  }
0x72: {  	_ =	shalt  }
0x73: {  	_ =	shalt  }
0x74: {  	_ =	shalt  }
0x75: {  	_ =	shalt  }
0x76: {  	_ =	shalt  }
0x77: {  	_ =	shalt  }
0x78: {  	_ =	shalt  }
0x79: {  	_ =	shalt  }
0x7a: {  	_ =	shalt  }
0x7b: {  	_ =	shalt  }
0x7c: {  	_ =	shalt  }
0x7d: {  	_ =	shalt  }
0x7e: {  	_ =	shalt  }
0x7f: {  	_ =	shalt  }
0x80: {  	_ =	shalt  }
0x81: {  	_ =	shalt  }
0x82: {  	_ =	shalt  }
0x83: {  	_ =	shalt  }
0x84: {  	_ =	shalt  }
0x85: {  	_ =	shalt  }
0x86: {  	_ =	shalt  }
0x87: {  	_ =	shalt  }
.Lfunc_end0:
.L_simem_size_0:
called_computation.1_lowered:
.L_overlay_start_0:
0x88: {  	s2 =	sld [smem:$0x3FD9]  }
0x89: {  	s3 =	sld [smem:$0x3FFE];
	_ =	sdelay $0x1  }
0x8a: {  	s1 =	srdreg.scid  }
0x8b: {  	s0 =	sand.u32 $0x1, s1  }
0x8c: {  	s17 =	sshll.u32 s0, $0xA;
	s2 =	sadd.s32 s3, s2  }
0x8d: {  	s2 =	sadd.s32 s2, s17  }
0x8e: {  	[smem:$0x3FC4] =	sst s2  }
0x8f: {  	_ = 	snop  }
0x90: {  	s2 =	sld [smem:$0x3FD0];
	(tm) =	ssettm $0x1  }
0x91: {  	s18 =	sld [smem:$0x3FFB];
	_ =	sdelay $0x3  }
0x92: {  	_ =	strace s18  }
0x93: {  	s3 =	sld [smem:$0x3FFC];
	_ =	sdelay $0x3  }
0x94: {  	_ =	strace s3  }
0x95: {  	s3 =	sld [smem:$0x3FFD];
	_ =	sdelay $0x3  }
0x96: {  	_ =	strace s3  }
0x97: {  	_ =	strace $0x8FFFFFFF  }
0x98: {  	s19 =	sld [smem:$0x3FDB];
	_ =	sdelay $0x1  }
0x99: {  	s4 =	simm.s32 $_scs_section_size  }
0x9a: {  	s5 =	simm.s32 $_size__tile_overlayer_lowered;
	s6 =	simm.s32 $_tile_overlayer_lowered  }
0x9b: {  	s22 =	simm.s32 $0x1BFF;
	s21 =	sshll.u32 s6, $0x1;
	s3 =	sadd.s32 s4, s19  }
0x9c: {  	s7 =	simm.s32 $0x0;
	s20 =	sshll.u32 s5, $0x1;
	s5 =	sadd.s32 s21, s3  }
0x9d: {  	[timem:s7], [sflag:s22] =	dma.local [hbm:s5], s20  }
0x9e: {  	_ =	swait.ge [sflag:s22], s20  }
0x9f: {  	s4 =	ssub.s32 $0x0, s20;
	[sflag:s22] =	ssyncset.done $0x0  }
0xa0: {  	[sflag:s22] =	ssyncadd.s32 s4;
	_ =	sdelay $0x1  }
0xa1: {  	s23 =	simm.s32 $0x1B8B  }
0xa2: {  	_ =	swait.ge [sflag:s23], $0x1  }
0xa3: {  	[sflag:s23] =	ssyncset.done $0x0  }
0xa4: {  	s25 =	simm.s32 $0x1B8E;
	s24 =	sld [smem:$0x3FFE];
	[sflag:s23] =	ssyncadd.s32 $0xFFFFFFFF  }
0xa5: {  	s26 =	simm.s32 $execute0_lowered;
	[smem:$0x3FD2] =	sst s25  }
0xa6: {  	s5 =	sshll.u32 s26, $0x1;
	_ =	strace $0x80000046;
	[dreg:$0x1] =	wrdreg $0xFFFFFFFF  }
0xa7: {  	s28 =	simm.s32 $_size_execute0_lowered;
	s3 =	sadd.s32 s3, s5;
	[dreg:$0x0] =	wrdreg $0x0  }
0xa8: {  	s5 =	sshll.u32 s28, $0x1;
	[dreg:$0x2] =	wrdreg s3  }
0xa9: {  	[dreg:$0x3] =	wrdreg s5  }
0xaa: {  	[dreg:$0x4] =	wrdreg $0xC0  }
0xab: {  	_ =	task [dreg:s7], $0x5FFFF  }
0xac: {  	[dreg:$0x1] =	wrdreg $0xFFFFFFFF  }
0xad: {  	[dreg:$0x0] =	wrdreg $0x60  }
0xae: {  	[dreg:$0x2] =	wrdreg s24  }
0xaf: {  	[dreg:$0x3] =	wrdreg s2  }
0xb0: {  	[dreg:$0x4] =	wrdreg $0x9  }
0xb1: {  	_ =	task.clear_ibuf [dreg:s7], $0x5FFFF;
	_ =	strace $0x90000046  }
0xb2: {  	s29 =	simm.s32 $0x9;
	_ =	strace $0x80000048  }
0xb3: {  	_ =	swait.ge [sflag:s29], $0x1  }
0xb4: {  	[sflag:s29] =	ssyncadd.s32 $0xFFFFFFFF  }
0xb5: {  	_ =	strace $0x90000048  }
0xb6: {  	_ =	sfence  }
0xb7: {  	s30 =	sld [smem:$0x0];
	_ =	sdelay $0x2  }
0xb8: {  	s31 =	sshll.u32 s1, $0xD;
	s1 =	sshrl.u32 s1, $0x2  }
0xb9: {  	s3 =	sand.u32 $0x4000, s31;
	s1 =	sadd.s32 s1, s30  }
0xba: {  	s0 =	sor.u32 s3, s0;
	s1 =	sshll.u32 s1, $0x11  }
0xbb: {  	s0 =	sor.u32 s1, s0  }
0xbc: {  	s0 =	sadd.s32 $0x8F2B, s0  }
0xbd: {  	[sflag:s0] =	ssyncadd.remote.s32 $0x1  }
0xbe: {  	_ =	sfence.sel $0xFFFF  }
0xbf: {  	[dreg:$0x0] =	wrdreg $0xFFFFFFFF;
	(pc) =	sbr.abs _section_cstart, $3  }
0xc0: {  	[dreg:$0x1] =	wrdreg $0xFFFFFFFF  }
0xc1: {  	_ =	task.clear_ibuf [dreg:s7], $0x2FFFF;
	_ =	strace $0x9FFFFFFF  }
0xc2: {  	(tm) =	ssettm $0x7FFFFFFF  }
0xc3: {  	_ =	shalt  }
tec
execute0_lowered:
.L_overlay_start_1:
0x0: {  	(tag) =	ssettag $0x1  }
0x1: {  	s0 =	srdreg.scid;
	s1 =	rddreg [dreg:$0x0]  }
0x2: {  	s2 =	stileid.u32;
	s5 =	rddreg [dreg:$0x1]  }
0x3: {  	s8 =	simm.s32 $0x64;
	s25 =	simm.s32 $0xCE80;
	s28 =	simm.s32 $0xE780  }
0x4: {  	s29 =	simm.s32 $0x410;
	s30 =	simm.s32 $0x10080;
	s31 =	simm.s32 $0x478  }
0x5: {  	s9 =	simm.s32 $0x13280;
	s10 =	simm.s32 $0x548;
	s11 =	simm.s32 $0x14B80  }
0x6: {  	s12 =	simm.s32 $0x5B0;
	s13 =	simm.s32 $0x16480;
	s14 =	simm.s32 $0x618  }
0x7: {  	s15 =	simm.s32 $0x17D80;
	s16 =	simm.s32 $0x1;
	s17 =	simm.s32 $0x19680  }
0x8: {  	s18 =	simm.s32 $0x0;
	s0 =	sand.u32 $0x1, s0;
	s2 =	sshll.u32 s2, $0x1  }
0x9: {  	s4 =	sor.u32 s0, s2;
	s2 =	simm.s32 $0x0;
	s0 =	ssub.s32 $0x2, s0  }
0xa: {  	s3 =	smul.u32 $0xD0, s4;
	[smem:$0x7FF] =	sst s2;
	s7 =	sshrl.u32 s0, $0x1  }
0xb: {  	s26 =	sshll.u32 s4, $0x8;
	_ =	strace $0x80000047;
	s0 =	ssub.s32 s0, s7  }
0xc: {  	s5 =	sadd.s32 s5, s26;
	s7 =	simm.s32 $0x2;
	s26 =	simm.s32 $0x3A8  }
0xd: {  	s6 =	sadd.s32 s3, s1;
	s3 =	sadd.s32 $0x2400, s1;
	s1 =	simm.s32 $0x11980  }
0xe: {  	s4 =	sadd.s32 $0xA00, s6;
	s6 =	smax.u32 s0, $0x1;
	s0 =	simm.s32 $0x4E0  }
.LBB2_1:
0xf: {  	[tilespmem:s2], [sflag:$0x2] =	stream.linear.gather [hbm4b:s4+s2], $0x680, $0x38;
	[tilespmem:$0x19E80] =	vst v63  }
0x10: {  	_ =	swait.ge [sflag:s7], $0x680  }
0x11: {  	[sflag:s7] =	ssyncset.done $0x0  }
0x12: {  	s19 =	simm.s32 $0x680;
	[sflag:s7] =	ssyncadd.s32 $0xFFFFF980  }
0x13: {  	[tilespmem:s19], [sflag:$0x1] =	stream.indirect.gather [hbm4b:s3+s8], $0x40, s2, s8, $0xb8;
	[tilespmem:$0x19E80] =	vst v63  }
0x14: {  	s24 =	simm.s32 $0x68;
	s20 =	simm.s32 $0x1F80  }
0x15: {  	[tilespmem:s20], [sflag:$0x1] =	stream.indirect.gather [hbm4b:s3+s8], $0x40, s24, s8, $0xb8;
	[tilespmem:$0x19E80] =	vst v63  }
0x16: {  	s21 =	simm.s32 $0xD0;
	s22 =	simm.s32 $0x3880  }
0x17: {  	[tilespmem:s22], [sflag:$0x1] =	stream.indirect.gather [hbm4b:s3+s8], $0x40, s21, s8, $0xb8;
	[tilespmem:$0x19E80] =	vst v63  }
0x18: {  	s23 =	simm.s32 $0x138;
	s24 =	simm.s32 $0x5180  }
0x19: {  	[tilespmem:s24], [sflag:$0x1] =	stream.indirect.gather [hbm4b:s3+s8], $0x40, s23, s8, $0xb8;
	[tilespmem:$0x19E80] =	vst v63  }
0x1a: {  	s21 =	simm.s32 $0x1A0;
	s22 =	simm.s32 $0x6A80  }
0x1b: {  	[tilespmem:s22], [sflag:$0x1] =	stream.indirect.gather [hbm4b:s3+s8], $0x40, s21, s8, $0xb8;
	[tilespmem:$0x19E80] =	vst v63  }
0x1c: {  	s23 =	simm.s32 $0x208;
	s24 =	simm.s32 $0x8380  }
0x1d: {  	[tilespmem:s24], [sflag:$0x1] =	stream.indirect.gather [hbm4b:s3+s8], $0x40, s23, s8, $0xb8;
	[tilespmem:$0x19E80] =	vst v63  }
0x1e: {  	s20 =	simm.s32 $0x270;
	s21 =	simm.s32 $0x9C80  }
0x1f: {  	[tilespmem:s21], [sflag:$0x1] =	stream.indirect.gather [hbm4b:s3+s8], $0x40, s20, s8, $0xb8;
	[tilespmem:$0x19E80] =	vst v63  }
0x20: {  	s22 =	simm.s32 $0x2D8;
	s23 =	simm.s32 $0xB580  }
0x21: {  	[tilespmem:s23], [sflag:$0x1] =	stream.indirect.gather [hbm4b:s3+s8], $0x40, s22, s8, $0xb8;
	[tilespmem:$0x19E80] =	vst v63  }
0x22: {  	s24 =	simm.s32 $0x340  }
0x23: {  	[tilespmem:s25], [sflag:$0x1] =	stream.indirect.gather [hbm4b:s3+s8], $0x40, s24, s8, $0xb8;
	[tilespmem:$0x19E80] =	vst v63  }
0x24: {  	_ = 	snop  }
0x25: {  	[tilespmem:s28], [sflag:$0x1] =	stream.indirect.gather [hbm4b:s3+s8], $0x40, s26, s8, $0xb8;
	[tilespmem:$0x19E80] =	vst v63  }
0x26: {  	_ = 	snop  }
0x27: {  	[tilespmem:s30], [sflag:$0x1] =	stream.indirect.gather [hbm4b:s3+s8], $0x40, s29, s8, $0xb8;
	[tilespmem:$0x19E80] =	vst v63  }
0x28: {  	_ = 	snop  }
0x29: {  	[tilespmem:s1], [sflag:$0x1] =	stream.indirect.gather [hbm4b:s3+s8], $0x40, s31, s8, $0xb8;
	[tilespmem:$0x19E80] =	vst v63  }
0x2a: {  	_ = 	snop  }
0x2b: {  	[tilespmem:s9], [sflag:$0x1] =	stream.indirect.gather [hbm4b:s3+s8], $0x40, s0, s8, $0xb8;
	[tilespmem:$0x19E80] =	vst v63  }
0x2c: {  	_ = 	snop  }
0x2d: {  	[tilespmem:s11], [sflag:$0x1] =	stream.indirect.gather [hbm4b:s3+s8], $0x40, s10, s8, $0xb8;
	[tilespmem:$0x19E80] =	vst v63  }
0x2e: {  	_ = 	snop  }
0x2f: {  	[tilespmem:s13], [sflag:$0x1] =	stream.indirect.gather [hbm4b:s3+s8], $0x40, s12, s8, $0xb8;
	[tilespmem:$0x19E80] =	vst v63  }
0x30: {  	_ = 	snop  }
0x31: {  	[tilespmem:s15], [sflag:$0x1] =	stream.indirect.gather [hbm4b:s3+s8], $0x40, s14, s8, $0xb8;
	[tilespmem:$0x19E80] =	vst v63  }
0x32: {  	_ =	swait.ge [sflag:s16], $0x1900  }
0x33: {  	[sflag:s16] =	ssyncset.done $0x0  }
0x34: {  	[sflag:s16] =	ssyncadd.s32 $0xFFFFE700  }
0x35: {  	_ =	swait.ge [sflag:s16], $0x1900  }
0x36: {  	[sflag:s16] =	ssyncset.done $0x0  }
0x37: {  	[sflag:s16] =	ssyncadd.s32 $0xFFFFE700  }
0x38: {  	_ =	swait.ge [sflag:s16], $0x1900  }
0x39: {  	[sflag:s16] =	ssyncset.done $0x0  }
0x3a: {  	[sflag:s16] =	ssyncadd.s32 $0xFFFFE700  }
0x3b: {  	_ =	swait.ge [sflag:s16], $0x1900  }
0x3c: {  	[sflag:s16] =	ssyncset.done $0x0  }
0x3d: {  	[sflag:s16] =	ssyncadd.s32 $0xFFFFE700  }
0x3e: {  	_ =	swait.ge [sflag:s16], $0x1900  }
0x3f: {  	[sflag:s16] =	ssyncset.done $0x0  }
0x40: {  	[sflag:s16] =	ssyncadd.s32 $0xFFFFE700  }
0x41: {  	_ =	swait.ge [sflag:s16], $0x1900  }
0x42: {  	[sflag:s16] =	ssyncset.done $0x0  }
0x43: {  	[sflag:s16] =	ssyncadd.s32 $0xFFFFE700  }
0x44: {  	_ =	swait.ge [sflag:s16], $0x1900  }
0x45: {  	[sflag:s16] =	ssyncset.done $0x0  }
0x46: {  	[sflag:s16] =	ssyncadd.s32 $0xFFFFE700  }
0x47: {  	_ =	swait.ge [sflag:s16], $0x1900  }
0x48: {  	[sflag:s16] =	ssyncset.done $0x0  }
0x49: {  	[sflag:s16] =	ssyncadd.s32 $0xFFFFE700  }
0x4a: {  	_ =	swait.ge [sflag:s16], $0x1900  }
0x4b: {  	[sflag:s16] =	ssyncset.done $0x0  }
0x4c: {  	[sflag:s16] =	ssyncadd.s32 $0xFFFFE700  }
0x4d: {  	_ =	swait.ge [sflag:s16], $0x1900  }
0x4e: {  	[sflag:s16] =	ssyncset.done $0x0  }
0x4f: {  	[sflag:s16] =	ssyncadd.s32 $0xFFFFE700  }
0x50: {  	_ =	swait.ge [sflag:s16], $0x1900  }
0x51: {  	[sflag:s16] =	ssyncset.done $0x0  }
0x52: {  	[sflag:s16] =	ssyncadd.s32 $0xFFFFE700  }
0x53: {  	_ =	swait.ge [sflag:s16], $0x1900  }
0x54: {  	[sflag:s16] =	ssyncset.done $0x0  }
0x55: {  	[sflag:s16] =	ssyncadd.s32 $0xFFFFE700  }
0x56: {  	_ =	swait.ge [sflag:s16], $0x1900  }
0x57: {  	[sflag:s16] =	ssyncset.done $0x0  }
0x58: {  	[sflag:s16] =	ssyncadd.s32 $0xFFFFE700  }
0x59: {  	_ =	swait.ge [sflag:s16], $0x1900  }
0x5a: {  	[sflag:s16] =	ssyncset.done $0x0  }
0x5b: {  	[sflag:s16] =	ssyncadd.s32 $0xFFFFE700  }
0x5c: {  	_ =	swait.ge [sflag:s16], $0x1900  }
0x5d: {  	[sflag:s16] =	ssyncset.done $0x0  }
0x5e: {  	[sflag:s16] =	ssyncadd.s32 $0xFFFFE700  }
0x5f: {  	_ =	swait.ge [sflag:s16], $0x1900  }
0x60: {  	s19 =	simm.s32 $0x6C0;
	[sflag:s16] =	ssyncset.done $0x0  }
0x61: {  	s20 =	simm.s32 $0x1340;
	s21 =	simm.s32 $0x0;
	[sflag:s16] =	ssyncadd.s32 $0xFFFFE700  }
.LBB2_2:
0x62: {  	s22 =	smul.u32 $0x6400, s21;
	_ =	sdelay $0x1  }
0x63: {  	v5 =	vmov s19;
	s23 =	sshra.s32 s22, $0x2  }
0x64: {  	v4 =	vld [tilespmem:s23+$0x680]  }
0x65: {  	v2 =	vld [tilespmem:s23+$0x690]  }
0x66: {  	v1 =	vld [tilespmem:s23+$0x6A0]  }
0x67: {  	s24 =	simm.s32 $0x0;
	v0 =	vld [tilespmem:s23+$0x6B0]  }
0x68: {  	v3 =	vld.idx.msk [tilespmem:v5+s24+$0x30 ss:$0x1], $0xffff  }
0x69: {  	v8 =	vld.idx.msk [tilespmem:v5+s24+$0x0 ss:$0x1], $0xffff  }
0x6a: {  	v6 =	vld.idx.msk [tilespmem:v5+s24+$0x10 ss:$0x1], $0xffff  }
0x6b: {  	s22 =	simm.s32 $0x100;
	v7 =	vld.idx.msk [tilespmem:v5+s24+$0x20 ss:$0x1], $0xffff  }
.LBB2_3:
0x6c: {  	p0 =	sne.s32 s22, $0x3000  }
.Ltmp0:
0x6d: {  	s24 =	sshra.s32 s22, $0x2;
	s22 =	sadd.s32 $0x100, s22;
	(pc) =	sbr.rel @p0 .LBB2_3-.Ltmp0, $4  }
0x6e: {  	v0 =	vadd.f32 v3, v0;
	v3 =	vld.idx.msk [tilespmem:v5+s24+$0x30 ss:$0x1], $0xffff  }
0x6f: {  	v4 =	vadd.f32 v8, v4;
	v8 =	vld.idx.msk [tilespmem:v5+s24+$0x0 ss:$0x1], $0xffff  }
0x70: {  	v2 =	vadd.f32 v6, v2;
	v6 =	vld.idx.msk [tilespmem:v5+s24+$0x10 ss:$0x1], $0xffff  }
0x71: {  	v1 =	vadd.f32 v7, v1;
	v7 =	vld.idx.msk [tilespmem:v5+s24+$0x20 ss:$0x1], $0xffff  }
0x72: {  	_ = 	snop  }
0x73: {  	s22 =	sshll.u32 s21, $0x7;
	v0 =	vadd.f32 v3, v0  }
0x74: {  	s22 =	sand.u32 $0x3FFFFF80, s22;
	v4 =	vadd.f32 v8, v4  }
0x75: {  	v2 =	vadd.f32 v6, v2;
	[tilespmem:s22+$0x196B0] =	vst v0  }
0x76: {  	v1 =	vadd.f32 v7, v1;
	[tilespmem:s22+$0x19680] =	vst v4  }
0x77: {  	[tilespmem:s22+$0x19690] =	vst v2  }
0x78: {  	v4 =	vmov s20;
	[tilespmem:s22+$0x196A0] =	vst v1  }
0x79: {  	v1 =	vld [tilespmem:s23+$0x1300]  }
0x7a: {  	v2 =	vld [tilespmem:s23+$0x1310]  }
0x7b: {  	v3 =	vld [tilespmem:s23+$0x1320]  }
0x7c: {  	s24 =	simm.s32 $0x0;
	v0 =	vld [tilespmem:s23+$0x1330]  }
0x7d: {  	v5 =	vld.idx.msk [tilespmem:v4+s24+$0x30 ss:$0x1], $0xffff  }
0x7e: {  	v6 =	vld.idx.msk [tilespmem:v4+s24+$0x0 ss:$0x1], $0xffff  }
0x7f: {  	v7 =	vld.idx.msk [tilespmem:v4+s24+$0x10 ss:$0x1], $0xffff  }
0x80: {  	s23 =	simm.s32 $0x100;
	v8 =	vld.idx.msk [tilespmem:v4+s24+$0x20 ss:$0x1], $0xffff  }
.LBB2_5:
0x81: {  	p0 =	sne.s32 s23, $0x3000  }
.Ltmp1:
0x82: {  	s24 =	sshra.s32 s23, $0x2;
	s23 =	sadd.s32 $0x100, s23;
	(pc) =	sbr.rel @p0 .LBB2_5-.Ltmp1, $4  }
0x83: {  	v0 =	vadd.f32 v5, v0;
	v5 =	vld.idx.msk [tilespmem:v4+s24+$0x30 ss:$0x1], $0xffff  }
0x84: {  	v1 =	vadd.f32 v6, v1;
	v6 =	vld.idx.msk [tilespmem:v4+s24+$0x0 ss:$0x1], $0xffff  }
0x85: {  	v2 =	vadd.f32 v7, v2;
	v7 =	vld.idx.msk [tilespmem:v4+s24+$0x10 ss:$0x1], $0xffff  }
0x86: {  	v3 =	vadd.f32 v8, v3;
	v8 =	vld.idx.msk [tilespmem:v4+s24+$0x20 ss:$0x1], $0xffff  }
0x87: {  	s21 =	sadd.s32 $0x1, s21  }
0x88: {  	v0 =	vadd.f32 v5, v0;
	p0 =	sne.s32 s21, $0x10  }
.Ltmp2:
0x89: {  	v1 =	vadd.f32 v6, v1;
	(pc) =	sbr.rel @p0 .LBB2_2-.Ltmp2, $4  }
0x8a: {  	v2 =	vadd.f32 v7, v2;
	[tilespmem:s22+$0x196F0] =	vst v0  }
0x8b: {  	v3 =	vadd.f32 v8, v3;
	[tilespmem:s22+$0x196C0] =	vst v1  }
0x8c: {  	[tilespmem:s22+$0x196D0] =	vst v2  }
0x8d: {  	s19 =	sadd.s32 $0x1900, s19;
	s20 =	sadd.s32 $0x1900, s20;
	[tilespmem:s22+$0x196E0] =	vst v3  }
0x8e: {  	s18 =	sadd.s32 $0x1, s18  }
0x8f: {  	p0 =	sne.s32 s18, s6  }
.Ltmp3:
0x90: {  	_ = 	snop;
	(pc) =	sbr.rel @p0 .LBB2_1-.Ltmp3, $4  }
0x91: {  	[hbm4b:s5+s2] =	stream.linear.scatter [tilespmem:s17], [sflag:$0x2], $0x800, $0x38;
	[tilespmem:$0x19E80] =	vst v63  }
0x92: {  	_ =	swait.ge [sflag:s7], $0x800  }
0x93: {  	[sflag:s7] =	ssyncset.done $0x0  }
0x94: {  	[sflag:s7] =	ssyncadd.s32 $0xFFFFF800  }
0x95: {  	_ =	sfence.sel $0x180000  }
0x96: {  	[bflag:$0x0] =	sbarrier.arrive $0xFFFF  }
0x97: {  	_ =	strace $0x90000047  }
0x98: {  	s0 =	stileid.u32;
	[bflag:$0x2] =	sbarrier.arrive $0xFFFF  }
0x99: {  	p0 =	sne.s32 s0, $0x0;
	s0 =	rddreg [dreg:$0x2]  }
0x9a: {  	s0 =	sadd.s32 @!p0 $0x100000, s0  }
0x9b: {  	[sflag:s0] =	ssyncadd.tile.s32 @!p0 $0x1;
	_ =	shalt  }
.Lfunc_end2:
_tile_overlayer_lowered:
.L_overlay_start_2:
0x9c: {  	(tag) =	ssettag $0x2  }
0x9d: {  	s0 =	rddreg [dreg:$0x0];
	s2 =	stileid.u32  }
0x9e: {  	s1 =	rddreg [dreg:$0x1];
	p0 =	sne.s32 s2, $0x0  }
0x9f: {  	s3 =	rddreg [dreg:$0x2];
	[bflag:$0x3] =	sbarrier.arrive $0xFFFF;
	s2 =	simm.s32 @!p0 $0x1C02  }
0xa0: {  	[timem:s3], [sflag:s2] =	dma.local @!p0 [hbm:s0], s1  }
0xa1: {  	s0 =	simm.s32 @!p0 $0x2  }
0xa2: {  	_ =	swait.ge @!p0 [sflag:s0], s1  }
0xa3: {  	s1 =	ssub.s32 @!p0 $0x0, s1;
	[sflag:s0] =	ssyncset.done @!p0 $0x0  }
0xa4: {  	[sflag:s0] =	ssyncadd.s32 @!p0 s1  }
0xa5: {  	[bflag:$0x3] =	sbarrier.arrive $0xFFFF  }
0xa6: {  	_ =	shalt  }

// kernel: sparse-core-data-format-call.cloned.1.call-start
scs
called_computation_lowered:
.L_overlay_start_0:
0x0: {  	s2 =	sld [smem:$0x3FD9]  }
0x1: {  	s3 =	sld [smem:$0x3FFE];
	_ =	sdelay $0x1  }
0x2: {  	s1 =	srdreg.scid  }
0x3: {  	s0 =	sand.u32 $0x1, s1  }
0x4: {  	s18 =	sshll.u32 s0, $0xA;
	s2 =	sadd.s32 s3, s2  }
0x5: {  	s2 =	sadd.s32 s2, s18  }
0x6: {  	[smem:$0x3FC4] =	sst s2  }
0x7: {  	_ = 	snop  }
0x8: {  	s2 =	sld [smem:$0x3FD0];
	(tm) =	ssettm $0x1  }
0x9: {  	s19 =	sld [smem:$0x3FFB];
	_ =	sdelay $0x3  }
0xa: {  	_ =	strace s19  }
0xb: {  	s3 =	sld [smem:$0x3FFC];
	_ =	sdelay $0x3  }
0xc: {  	_ =	strace s3  }
0xd: {  	s3 =	sld [smem:$0x3FFD];
	_ =	sdelay $0x3  }
0xe: {  	_ =	strace s3  }
0xf: {  	_ =	strace $0x8FFFFFFF  }
0x10: {  	s20 =	sld [smem:$0x3FDB];
	_ =	sdelay $0x1  }
0x11: {  	s4 =	simm.s32 $_scs_section_size  }
0x12: {  	s5 =	simm.s32 $_size__tile_overlayer_lowered;
	s6 =	simm.s32 $_tile_overlayer_lowered  }
0x13: {  	s23 =	simm.s32 $0x1BFF;
	s22 =	sshll.u32 s6, $0x1;
	s3 =	sadd.s32 s4, s20  }
0x14: {  	s7 =	simm.s32 $0x0;
	s21 =	sshll.u32 s5, $0x1;
	s5 =	sadd.s32 s22, s3  }
0x15: {  	[timem:s7], [sflag:s23] =	dma.local [hbm:s5], s21  }
0x16: {  	_ =	swait.ge [sflag:s23], s21  }
0x17: {  	s4 =	ssub.s32 $0x0, s21;
	[sflag:s23] =	ssyncset.done $0x0  }
0x18: {  	[sflag:s23] =	ssyncadd.s32 s4;
	_ =	sdelay $0x1  }
0x19: {  	s24 =	simm.s32 $0x1B8B  }
0x1a: {  	_ =	swait.ge [sflag:s24], $0x1  }
0x1b: {  	[sflag:s24] =	ssyncset.done $0x0  }
0x1c: {  	s26 =	simm.s32 $0x1B8E;
	s25 =	sld [smem:$0x3FFE];
	[sflag:s24] =	ssyncadd.s32 $0xFFFFFFFF  }
0x1d: {  	s27 =	simm.s32 $execute0_lowered;
	[smem:$0x3FD2] =	sst s26  }
0x1e: {  	s5 =	sshll.u32 s27, $0x1;
	_ =	strace $0x80000049;
	[dreg:$0x1] =	wrdreg $0xFFFFFFFF  }
0x1f: {  	s28 =	simm.s32 $_size_execute0_lowered;
	s3 =	sadd.s32 s3, s5;
	[dreg:$0x0] =	wrdreg $0x0  }
0x20: {  	s5 =	sshll.u32 s28, $0x1;
	[dreg:$0x2] =	wrdreg s3  }
0x21: {  	[dreg:$0x3] =	wrdreg s5  }
0x22: {  	[dreg:$0x4] =	wrdreg $0xC0  }
0x23: {  	_ =	task [dreg:s7], $0x5FFFF  }
0x24: {  	[dreg:$0x1] =	wrdreg $0xFFFFFFFF  }
0x25: {  	[dreg:$0x0] =	wrdreg $0x60  }
0x26: {  	[dreg:$0x2] =	wrdreg s25  }
0x27: {  	[dreg:$0x3] =	wrdreg s2  }
0x28: {  	[dreg:$0x4] =	wrdreg $0x9  }
0x29: {  	_ =	task.clear_ibuf [dreg:s7], $0x5FFFF;
	_ =	strace $0x90000049  }
0x2a: {  	s29 =	simm.s32 $0x9;
	_ =	strace $0x8000004B  }
0x2b: {  	_ =	swait.ge [sflag:s29], $0x1  }
0x2c: {  	[sflag:s29] =	ssyncadd.s32 $0xFFFFFFFF  }
0x2d: {  	_ =	strace $0x9000004B  }
0x2e: {  	_ =	sfence  }
0x2f: {  	s30 =	sld [smem:$0x0];
	_ =	sdelay $0x2  }
0x30: {  	s31 =	sshll.u32 s1, $0xD;
	s1 =	sshrl.u32 s1, $0x2  }
0x31: {  	s3 =	sand.u32 $0x4000, s31;
	s1 =	sadd.s32 s1, s30  }
0x32: {  	s0 =	sor.u32 s3, s0;
	s1 =	sshll.u32 s1, $0x11  }
0x33: {  	s0 =	sor.u32 s1, s0  }
0x34: {  	s0 =	sadd.s32 $0x8F2B, s0  }
0x35: {  	[sflag:s0] =	ssyncadd.remote.s32 $0x1  }
0x36: {  	_ =	sfence.sel $0xFFFF  }
0x37: {  	[dreg:$0x0] =	wrdreg $0xFFFFFFFF;
	(pc) =	sbr.abs _section_cstart, $3  }
0x38: {  	[dreg:$0x1] =	wrdreg $0xFFFFFFFF  }
0x39: {  	_ =	task.clear_ibuf [dreg:s7], $0x2FFFF;
	_ =	strace $0x9FFFFFFF  }
0x3a: {  	(tm) =	ssettm $0x7FFFFFFF  }
0x3b: {  	_ =	shalt  }
tec
execute0_lowered:
.L_overlay_start_1:
0x0: {  	(tag) =	ssettag $0x1  }
0x1: {  	s0 =	stileid.u32  }
0x2: {  	s2 =	srdreg.scid;
	s7 =	rddreg [dreg:$0x0]  }
0x3: {  	s6 =	simm.s32 $0x1;
	s31 =	simm.s32 $0x2;
	s16 =	simm.s32 $0x0  }
0x4: {  	s9 =	simm.s32 $0x2000;
	s15 =	simm.s32 $0x0;
	s10 =	simm.s32 $0x0  }
0x5: {  	s11 =	simm.s32 $0x0;
	s14 =	simm.s32 $0x0;
	s1 =	sshll.u32 s0, $0x7  }
0x6: {  	s3 =	sshll.u32 s0, $0x4;
	s2 =	sshll.u32 s2, $0x8;
	s1 =	sand.u32 $0x380, s1  }
0x7: {  	s7 =	sadd.s32 $0xA00, s7;
	s2 =	sor.u32 s3, s2;
	s5 =	ssub.s32 $0x400, s1  }
0x8: {  	s3 =	rddreg [dreg:$0x1];
	s4 =	sand.u32 $0x180, s2;
	s29 =	sand.u32 $0x380, s5  }
0x9: {  	s30 =	ssub.s32 $0x18680, s4;
	s5 =	sshrl.u32 s5, $0xA;
	p0 =	sne.s32 s29, $0x0  }
.Ltmp0:
0xa: {  	s8 =	sshrl.u32 s30, $0x9;
	s6 =	simm.s32 @!p0 $0x0;
	(pc) =	sbr.rel .LBB1_1-.Ltmp0, $4  }
0xb: {  	s2 =	rddreg [dreg:$0x2];
	s8 =	sadd.s32 $0x1, s8;
	s6 =	sadd.s32 s6, s5  }
0xc: {  	_ =	strace $0x8000004A;
	s5 =	simm.s32 $0x1;
	s6 =	smul.u32 s6, s8  }
0xd: {  	s13 =	smov.u32 s1;
	s12 =	smov.u32 s4;
	[sflag:s5] =	ssyncpa.u1 $0x0  }
0xe: {  	p0 =	por $0x0, $0x0;
	[sflag:s31] =	ssyncpa.u1 $0x0;
	s8 =	sadd.s32 $0x1, s6  }
.LBB1_4:
0xf: {  	s21 =	sshra.s32 s21, $0x2;
	s27 =	sshll.u32 s10, $0xA;
	s22 =	sshll.u32 s11, $0x3  }
0x10: {  	s23 =	sshll.u32 s10, $0x7;
	s24 =	sand.u32 $0x78, s11;
	p1 =	sgt.s32 s10, $0x18620  }
0x11: {  	s25 =	sshra.s32 s10, $0x1F;
	s26 =	sshra.s32 s11, $0x1F;
	s20 =	sadd.s32 s21, s20  }
0x12: {  	v5 =	vld [tilespmem:s18+$0xFFFFFFD0];
	[tilespmem:s19+$0x2040 ss:$0x81] =	vst.msk $0xffff, v4;
	s21 =	sand.u32 $0xFFFFE000, s27;
	s22 =	sand.u32 $0xFFFFFC00, s22;
	s28 =	sand.u32 $0x380, s23  }
0x13: {  	v58 =	vld [tilespmem:s18+$0xFFFFFFE0];
	[tilespmem:s19+$0x2850 ss:$0x81] =	vst.msk $0xffff, v3;
	s23 =	smov.u32 s10;
	s30 =	sand.u32 s25, s10;
	s25 =	smov.u32 s11  }
0x14: {  	v59 =	vld [tilespmem:s18+$0xFFFFFFF0];
	[tilespmem:s19+$0x3060 ss:$0x81] =	vst.msk $0xffff, v2;
	s31 =	sand.u32 s26, s11;
	s21 =	sadd.s32 s22, s21;
	s22 =	sor.u32 s24, s28  }
0x15: {  	v60 =	vld [tilespmem:s18+$0x0];
	[tilespmem:s19+$0x0 ss:$0x81] =	vst.msk $0xffff, v1;
	s23 =	simm.s32 @!p1 $0x18620;
	p1 =	sgt.s32 s11, $0x380;
	s21 =	sshrl.u32 s21, $0xA  }
0x16: {  	v61 =	vld [tilespmem:s18+$0x10];
	[tilespmem:s20+$0x3870 ss:$0x81] =	vst.msk $0xffff, v0;
	s19 =	ssub.s32 s23, s30;
	s25 =	simm.s32 @!p1 $0x380;
	s29 =	smulhi.u32 $0x53E2D7, s21  }
0x17: {  	v62 =	vld [tilespmem:s18+$0x20];
	s23 =	ssub.s32 s25, s31;
	s26 =	sadd.s32 $0xFFFE79E0, s19;
	s19 =	ssub.s32 $0x186A0, s19;
	[tilespmem:s20+$0x810 ss:$0x81] =	vst.msk $0xffff, v5  }
0x18: {  	v63 =	vld [tilespmem:s18+$0xFFFFFFC0];
	[tilespmem:s20+$0x1020 ss:$0x81] =	vst.msk $0xffff, v58;
	p1 =	sgt.s32 s26, $0x7F;
	s28 =	sadd.s32 $0xFFFFFC80, s23;
	s24 =	sshrl.u32 s29, $0x7  }
0x19: {  	[tilespmem:s20+$0x1830 ss:$0x81] =	vst.msk $0xffff, v59;
	s23 =	ssub.s32 $0x400, s23;
	p2 =	sgt.s32 s28, $0x7F;
	s27 =	smul.u32 $0x186A0, s24  }
0x1a: {  	s30 =	sand.u32 $0x7, s11;
	[tilespmem:s20+$0x2040 ss:$0x81] =	vst.msk $0xffff, v60;
	s19 =	simm.s32 @p1 $0x0;
	s23 =	simm.s32 @p2 $0x0  }
0x1b: {  	[tilespmem:s20+$0x2850 ss:$0x81] =	vst.msk $0xffff, v61;
	s29 =	sshrl.u32 s22, $0x3;
	s19 =	smul.u32 s23, s19;
	s18 =	ssub.s32 s21, s27  }
0x1c: {  	[tilespmem:s20+$0x3060 ss:$0x81] =	vst.msk $0xffff, v62;
	s22 =	sshll.u32 s30, $0x12;
	s21 =	sadd.s32 s3, s29;
	s18 =	sshll.u32 s18, $0x7  }
0x1d: {  	[tilespmem:s20+$0x0 ss:$0x81] =	vst.msk $0xffff, v63;
	s31 =	sor.u32 $0x400, s22;
	s19 =	sand.u32 $0x3FFFFFFF, s19;
	s18 =	sadd.s32 s18, s21  }
0x1e: {  	[hbm4b:s18+s31] =	stream.strided.scatter [tilespmem:s17], [sflag:$0x2], s19, s9, s31, $0x20;
	[tilespmem:$0x10100] =	vst v63  }
.LBB1_5:
0x1f: {  	p1 =	slt.u32 s14, $0x2  }
0x20: {  	s18 =	smov.u32 s16;
	p2 =	sgt.s32 @!p1 s16, $0x18620;
	s17 =	sshra.s32 @!p1 s16, $0x1F  }
0x21: {  	p3 =	sgt.s32 @!p1 s15, $0x380;
	s19 =	sshra.s32 @!p1 s15, $0x1F;
	p2 =	por !p2, p1  }
0x22: {  	s16 =	sand.u32 @!p1 s17, s16;
	p3 =	por !p3, p1;
	s17 =	smov.u32 s15  }
0x23: {  	s15 =	sand.u32 @!p1 s19, s15;
	s18 =	simm.s32 @p2 $0x18620;
	s17 =	simm.s32 @p3 $0x380  }
0x24: {  	s16 =	ssub.s32 @!p1 s18, s16;
	s15 =	ssub.s32 @!p1 s17, s15  }
0x25: {  	s19 =	smov.u32 s13;
	s17 =	sadd.s32 @!p1 $0xFFFE79E0, s16;
	s18 =	sadd.s32 @!p1 $0xFFFFFC80, s15  }
0x26: {  	s16 =	ssub.s32 @!p1 $0x186A0, s16;
	p2 =	sgt.s32 @!p1 s17, $0x7F;
	p3 =	sgt.s32 @!p1 s18, $0x7F  }
0x27: {  	s15 =	ssub.s32 @!p1 $0x400, s15;
	p2 =	por !p2, p1;
	p3 =	por !p3, p1  }
0x28: {  	s17 =	sadd.s32 $0x200, s12;
	s16 =	simm.s32 @!p2 $0x0;
	s15 =	simm.s32 @!p3 $0x0  }
0x29: {  	p2 =	sgt.s32 s17, $0x1869F;
	s15 =	smul.u32 @!p1 s15, s16;
	s16 =	sadd.s32 $0x400, s13  }
0x2a: {  	s19 =	smov.u32 @p2 s16  }
0x2b: {  	s17 =	smov.u32 @p2 s4;
	p2 =	sgt.s32 s19, $0x3FF  }
0x2c: {  	s19 =	smov.u32 @p2 s1;
	p2 =	sne.s32 s14, s8  }
.Ltmp1:
0x2d: {  	p0 =	por !p0, !p0;
	s18 =	simm.s32 @!p1 $0x2;
	(pc) =	sbr.rel @!p2 .LBB1_6-.Ltmp1, $4  }
0x2e: {  	s16 =	smov.u32 s10;
	s10 =	smov.u32 s12;
	s15 =	sand.u32 @!p1 $0x3FFFFFFF, s15  }
0x2f: {  	s12 =	smov.u32 s17;
	_ =	swait.ge @!p1 [sflag:s18], s15;
	s20 =	ssub.s32 @!p1 $0x0, s15  }
0x30: {  	s15 =	smov.u32 s11;
	s14 =	sadd.s32 $0x1, s14;
	[sflag:s18] =	ssyncset.done @!p1 $0x0  }
0x31: {  	s11 =	smov.u32 s13;
	s13 =	smov.u32 s19;
	[sflag:s18] =	ssyncadd.s32 @!p1 s20  }
.LBB1_1:
0x32: {  	p1 =	sge.u32 s14, s6  }
0x33: {  	s17 =	sshrl.u32 @!p1 s13, $0x3  }
0x34: {  	s18 =	sshll.u32 @!p1 s12, $0x3;
	s17 =	smul.u32 @!p1 $0xC3800, s17  }
0x35: {  	s19 =	sshll.u32 @!p1 s13, $0x7;
	s18 =	sand.u32 @!p1 $0xFFFFFC00, s18  }
0x36: {  	s17 =	sadd.s32 @!p1 s17, s18;
	s18 =	sand.u32 @!p1 $0x380, s19  }
0x37: {  	s19 =	sand.u32 @!p1 $0x7F, s12;
	s17 =	sor.u32 @!p1 s18, s17  }
0x38: {  	s18 =	sor.u32 @!p1 s19, s17  }
0x39: {  	s19 =	smulhi.u32 @!p1 $0xA79C7B17, s18;
	_ =	sdelay $0x1  }
0x3a: {  	s17 =	smulhi.u32 @!p1 $0xA79C7B17, s17;
	s19 =	sshrl.u32 @!p1 s19, $0x10  }
0x3b: {  	s19 =	smul.u32 @!p1 $0x18700, s19  }
0x3c: {  	s31 =	sadd.s32 $0xFFFFFFFF, s14;
	s20 =	sxor.u32 @!p1 $0xFFFFFFFF, s14;
	s17 =	sshrl.u32 @!p1 s17, $0x10  }
0x3d: {  	s20 =	sshll.u32 @!p1 s20, $0xE;
	s17 =	sand.u32 @!p1 $0x3FF, s17;
	s18 =	ssub.s32 @!p1 s18, s19  }
0x3e: {  	s17 =	smul.u32 @!p1 $0x30E0, s17;
	s19 =	sshrl.u32 @!p1 s18, $0x3;
	s18 =	sand.u32 @!p1 $0x7, s18  }
0x3f: {  	s20 =	sand.u32 @!p1 $0x4000, s20;
	s19 =	sadd.s32 @!p1 s7, s19;
	s18 =	sshll.u32 @!p1 s18, $0x12  }
0x40: {  	s17 =	sadd.s32 @!p1 s17, s19;
	s18 =	sor.u32 @!p1 $0x400, s18;
	s19 =	simm.s32 @!p1 $0xC3800  }
0x41: {  	[tilespmem:s20], [sflag:$0x1] =	stream.strided.gather @!p1 [hbm4b:s17+s18], $0x4000, s19, s18, $0x38;
	[tilespmem:$0x10100] =	vst v63  }
0x42: {  	p1 =	sge.u32 s31, s6  }
.Ltmp2:
0x43: {  	_ = 	snop;
	(pc) =	sbr.rel @p1 .LBB1_5-.Ltmp2, $1  }
0x44: {  	_ =	sdelay $0x3  }
0x45: {  	s17 =	simm.s32 $0x1  }
0x46: {  	_ =	swait.ge [sflag:s5], $0x4000;
	s17 =	simm.s32 @!p0 $0x0  }
0x47: {  	[sflag:s5] =	ssyncset.done $0x0;
	s18 =	sshll.u32 s17, $0xE  }
0x48: {  	[sflag:s5] =	ssyncadd.s32 $0xFFFFC000;
	s18 =	sor.u32 $0x40, s18  }
0x49: {  	s17 =	smul.u32 $0x10200, s17;
	v0 =	vld [tilespmem:s18+$0x30]  }
0x4a: {  	v1 =	vld [tilespmem:s18+$0xFFFFFFD0]  }
0x4b: {  	s17 =	sshrl.u32 s17, $0x2;
	v5 =	vld [tilespmem:s18+$0xFFFFFFE0]  }
0x4c: {  	v6 =	vld [tilespmem:s18+$0xFFFFFFF0];
	s20 =	sor.u32 $0x8000, s17  }
0x4d: {  	s31 =	sand.u32 $0x1, s14;
	v4 =	vld [tilespmem:s18+$0x0];
	s19 =	sadd.s32 $0x0, s20  }
0x4e: {  	v3 =	vld [tilespmem:s18+$0x10];
	s17 =	smul.u32 $0x10200, s31;
	[tilespmem:s19+$0x3870 ss:$0x81] =	vst.msk $0xffff, v0  }
0x4f: {  	v2 =	vld [tilespmem:s18+$0x20];
	[tilespmem:s19+$0x810 ss:$0x81] =	vst.msk $0xffff, v1  }
0x50: {  	s17 =	sshrl.u32 s17, $0x2;
	v1 =	vld [tilespmem:s18+$0xFFFFFFC0];
	[tilespmem:s19+$0x1020 ss:$0x81] =	vst.msk $0xffff, v5;
	s18 =	sadd.s32 $0x80, s18  }
0x51: {  	s21 =	simm.s32 $0x4;
	s22 =	simm.s32 $0x8;
	s17 =	sor.u32 $0x8000, s17;
	[tilespmem:s19+$0x1830 ss:$0x81] =	vst.msk $0xffff, v6;
	v0 =	vld [tilespmem:s18+$0x30]  }
.LBB1_3:
0x52: {  	p1 =	sne.s32 s22, $0x1FC;
	v5 =	vld [tilespmem:s18+$0xFFFFFFD0];
	[tilespmem:s19+$0x2040 ss:$0x81] =	vst.msk $0xffff, v4  }
0x53: {  	v6 =	vld [tilespmem:s18+$0xFFFFFFE0];
	[tilespmem:s19+$0x2850 ss:$0x81] =	vst.msk $0xffff, v3  }
0x54: {  	s23 =	sshra.s32 s21, $0x2;
	s21 =	smov.u32 s22;
	v7 =	vld [tilespmem:s18+$0xFFFFFFF0];
	[tilespmem:s19+$0x3060 ss:$0x81] =	vst.msk $0xffff, v2  }
.Ltmp3:
0x55: {  	v4 =	vld [tilespmem:s18+$0x0];
	[tilespmem:s19+$0x0 ss:$0x81] =	vst.msk $0xffff, v1;
	s19 =	sadd.s32 s23, s20;
	(pc) =	sbr.rel @p1 .LBB1_3-.Ltmp3, $4  }
0x56: {  	v3 =	vld [tilespmem:s18+$0x10];
	[tilespmem:s19+$0x3870 ss:$0x81] =	vst.msk $0xffff, v0  }
0x57: {  	[tilespmem:s19+$0x810 ss:$0x81] =	vst.msk $0xffff, v5;
	v2 =	vld [tilespmem:s18+$0x20]  }
0x58: {  	v1 =	vld [tilespmem:s18+$0xFFFFFFC0];
	[tilespmem:s19+$0x1020 ss:$0x81] =	vst.msk $0xffff, v6;
	s18 =	sadd.s32 $0x80, s18  }
0x59: {  	s22 =	sadd.s32 $0x4, s22;
	v0 =	vld [tilespmem:s18+$0x30];
	[tilespmem:s19+$0x1830 ss:$0x81] =	vst.msk $0xffff, v7  }
.Ltmp4:
0x5a: {  	_ = 	snop;
	(pc) =	sbr.rel .LBB1_4-.Ltmp4, $1  }
0x5b: {  	_ =	sdelay $0x3  }
.LBB1_6:
0x5c: {  	_ =	sfence.sel $0x180000  }
0x5d: {  	s1 =	simm.s32 $0x1;
	[bflag:$0x0] =	sbarrier.arrive $0xFFFF  }
0x5e: {  	s31 =	simm.s32 $0x2;
	[sflag:s1] =	ssyncpa.u1 $0x1  }
0x5f: {  	[sflag:s31] =	ssyncpa.u1 $0x1  }
0x60: {  	p0 =	sne.s32 s0, $0x0;
	_ =	strace $0x9000004A  }
0x61: {  	s0 =	sadd.s32 @!p0 $0x100000, s2;
	[bflag:$0x2] =	sbarrier.arrive $0xFFFF  }
0x62: {  	[sflag:s0] =	ssyncadd.tile.s32 @!p0 $0x1;
	_ =	shalt  }
.Lfunc_end1:
_tile_overlayer_lowered:
.L_overlay_start_2:
0x63: {  	(tag) =	ssettag $0x2  }
0x64: {  	s0 =	rddreg [dreg:$0x0];
	s2 =	stileid.u32  }
0x65: {  	s1 =	rddreg [dreg:$0x1];
	p0 =	sne.s32 s2, $0x0  }
0x66: {  	s3 =	rddreg [dreg:$0x2];
	[bflag:$0x3] =	sbarrier.arrive $0xFFFF;
	s2 =	simm.s32 @!p0 $0x1C01  }
0x67: {  	[timem:s3], [sflag:s2] =	dma.local @!p0 [hbm:s0], s1  }
0x68: {  	s0 =	simm.s32 @!p0 $0x1  }
0x69: {  	_ =	swait.ge @!p0 [sflag:s0], s1  }
0x6a: {  	s1 =	ssub.s32 @!p0 $0x0, s1;
	[sflag:s0] =	ssyncset.done @!p0 $0x0  }
0x6b: {  	[sflag:s0] =	ssyncadd.s32 @!p0 s1  }
0x6c: {  	[bflag:$0x3] =	sbarrier.arrive $0xFFFF  }
0x6d: {  	_ =	shalt  }

</sc_bundles>
